<compile_context>
chip_gen: v7x
topology: tpu7x:2x2x1
jax: 0.10.2.dev20260603
libtpu: 0.0.44.dev20260713+nightly
codegen_flags: <defaults>
</compile_context>

<pallas_src>
import functools

import jax
import jax.numpy as jnp
from jax import lax
from jax.experimental import pallas as pl
from jax.experimental.pallas import tpu as pltpu
from jax.experimental.pallas import tpu_sc as plsc

_B = 4
_N = 8192
_M = 1024
_S = 16
_R2 = 1.0
_TM = 128
_D = 16
_NW = 32
_BPW = (_B * _M * _S) // _NW



def _fps_body(x_ref, y_ref, z_ref, idx_ref, qx_ref, qy_ref, qz_ref):
    X = x_ref[...]
    Y = y_ref[...]
    Z = z_ref[...]
    S3 = jnp.concatenate([X, Y, Z], axis=0)
    lane = lax.broadcasted_iota(jnp.int32, (_B, _N), 1)
    lane3 = lax.broadcasted_iota(jnp.int32, (3 * _B, _N), 1)
    col = lax.broadcasted_iota(jnp.int32, (_B, _M), 1)

    def extract(last):
        l3 = jnp.concatenate([last, last, last], axis=0)
        ext = jnp.sum(jnp.where(lane3 == l3, S3, 0.0), axis=1, keepdims=True)
        return ext[0:_B], ext[_B:2 * _B], ext[2 * _B:3 * _B]

    def body(i, st):
        dists, idxs, qx, qy, qz, last = st
        px, py, pz = extract(last)
        qx = jnp.where(col == (i - 1), px, qx)
        qy = jnp.where(col == (i - 1), py, qy)
        qz = jnp.where(col == (i - 1), pz, qz)
        dx = X - px
        dy = Y - py
        dz = Z - pz
        d = dx * dx + dy * dy
        d = d + dz * dz
        dists = jnp.minimum(dists, d)
        mx = jnp.max(dists, axis=1, keepdims=True)
        nxt = jnp.min(jnp.where(dists == mx, lane, _N), axis=1, keepdims=True)
        idxs = jnp.where(col == i, nxt, idxs)
        return dists, idxs, qx, qy, qz, nxt

    dists0 = jnp.full((_B, _N), 1e10, jnp.float32)
    idxs0 = jnp.zeros((_B, _M), jnp.int32)
    q0 = jnp.zeros((_B, _M), jnp.float32)
    last0 = jnp.zeros((_B, 1), jnp.int32)
    st = lax.fori_loop(1, _M, body, (dists0, idxs0, q0, q0, q0, last0))
    dists, idxs, qx, qy, qz, last = st
    px, py, pz = extract(last)
    qx = jnp.where(col == (_M - 1), px, qx)
    qy = jnp.where(col == (_M - 1), py, qy)
    qz = jnp.where(col == (_M - 1), pz, qz)
    idx_ref[...] = idxs
    qx_ref[...] = qx
    qy_ref[...] = qy
    qz_ref[...] = qz


def _run_fps(X, Y, Z):
    return pl.pallas_call(
        _fps_body,
        out_shape=(
            jax.ShapeDtypeStruct((_B, _M), jnp.int32),
            jax.ShapeDtypeStruct((_B, _M), jnp.float32),
            jax.ShapeDtypeStruct((_B, _M), jnp.float32),
            jax.ShapeDtypeStruct((_B, _M), jnp.float32),
        ),
    )(X, Y, Z)



def _ball_body(q_ref, p_ref, o_ref):
    q = q_ref[...].reshape(_TM, 3)
    qx = q[:, 0:1]
    qy = q[:, 1:2]
    qz = q[:, 2:3]
    P = p_ref[...].reshape(3, _N)
    X = P[0:1, :]
    Y = P[1:2, :]
    Z = P[2:3, :]
    xx = qx * qx + qy * qy
    xx = xx + qz * qz
    yy = X * X + Y * Y
    yy = yy + Z * Z
    cross = jnp.dot(q.astype(jnp.bfloat16), P.astype(jnp.bfloat16),
                    preferred_element_type=jnp.float32)
    d2 = (xx + yy) - 2.0 * cross
    d2 = jnp.maximum(d2, 0.0)
    lane = lax.broadcasted_iota(jnp.int32, (_TM, _N), 1)
    cand = jnp.where(d2 < _R2, lane, _N)
    cols = lax.broadcasted_iota(jnp.int32, (_TM, _S), 1)
    sel = jnp.full((_TM, _S), _N, jnp.int32)
    for s in range(_S):
        v = jnp.min(cand, axis=1, keepdims=True)
        sel = jnp.where(cols == s, v, sel)
        cand = jnp.where(cand == v, _N, cand)
    first = sel[:, 0:1]
    first = jnp.where(first >= _N, 0, first)
    ind = jnp.where(sel >= _N, first, sel)
    o_ref[...] = ind.reshape(1, _TM, _S)


def _run_ball(qpts, points):
    return pl.pallas_call(
        _ball_body,
        grid=(_B, _M // _TM),
        in_specs=[
            pl.BlockSpec((1, _TM, 3), lambda b, t: (b, t, 0)),
            pl.BlockSpec((1, 3, _N), lambda b, t: (b, 0, 0)),
        ],
        out_specs=pl.BlockSpec((1, _TM, _S), lambda b, t: (b, t, 0)),
        out_shape=jax.ShapeDtypeStruct((_B, _M, _S), jnp.int32),
    )(qpts, points)



def _run_sc_gather(table, gidx):
    mesh = plsc.VectorSubcoreMesh(core_axis_name="c", subcore_axis_name="s")

    @functools.partial(
        pl.kernel,
        mesh=mesh,
        out_type=jax.ShapeDtypeStruct((_B * _M * _S, _D), jnp.float32),
        scratch_types=[
            pltpu.VMEM((_BPW,), jnp.int32),
            pltpu.VMEM((_BPW, _D), jnp.float32),
            pltpu.SemaphoreType.DMA,
        ],
        compiler_params=pltpu.CompilerParams(use_tc_tiling_on_sc=False),
    )
    def k(table_hbm, idx_hbm, out_hbm, idx_v, rows_v, sem):
        wid = lax.axis_index("s") * 2 + lax.axis_index("c")
        base = wid * _BPW
        pltpu.sync_copy(idx_hbm.at[pl.ds(base, _BPW)], idx_v)
        pltpu.async_copy(table_hbm.at[idx_v], rows_v, sem).wait()
        pltpu.sync_copy(rows_v, out_hbm.at[pl.ds(base, _BPW)])

    return k(table, gidx)



_P = _B * _M * _S
_RT = 8192
_NT = _P // _RT
_INV_P = 1.0 / _P


def _accum_stats(t, y, s_ref, acc_ref):
    ps = jnp.concatenate(
        [jnp.sum(y, axis=0, keepdims=True),
         jnp.sum(y * y, axis=0, keepdims=True)], axis=0)

    @pl.when(t == 0)
    def _():
        acc_ref[...] = ps

    @pl.when(t > 0)
    def _():
        acc_ref[...] += ps

    @pl.when(t == _NT - 1)
    def _():
        s_ref[...] = acc_ref[...]


def _conv0_body(g_ref, q_ref, w_ref, b_ref, y_ref, s_ref, acc_ref):
    t = pl.program_id(0)
    g = g_ref[...]
    q = q_ref[...]
    x = (g.reshape(_RT // _S, _S, _D) - q[:, None, :]).reshape(_RT, _D)
    y = jnp.dot(x, w_ref[...], preferred_element_type=jnp.float32)
    y = y + b_ref[...]
    y_ref[...] = y
    _accum_stats(t, y, s_ref, acc_ref)


def _normconv_body(yin_ref, sin_ref, gm_ref, bt_ref, w_ref, b_ref,
                   y_ref, s_ref, acc_ref):
    t = pl.program_id(0)
    y0 = yin_ref[...]
    mu = sin_ref[0:1, :] * _INV_P
    var = sin_ref[1:2, :] * _INV_P - mu * mu
    x = (y0 - mu) / jnp.sqrt(var + 1e-3)
    x = jnp.maximum(x * gm_ref[...] + bt_ref[...], 0.0)
    y = jnp.dot(x, w_ref[...], preferred_element_type=jnp.float32)
    y = y + b_ref[...]
    y_ref[...] = y
    _accum_stats(t, y, s_ref, acc_ref)


def _normpool_body(yin_ref, sin_ref, gm_ref, bt_ref, o_ref):
    y0 = yin_ref[...]
    mu = sin_ref[0:1, :] * _INV_P
    var = sin_ref[1:2, :] * _INV_P - mu * mu
    x = (y0 - mu) / jnp.sqrt(var + 1e-3)
    x = jnp.maximum(x * gm_ref[...] + bt_ref[...], 0.0)
    o_ref[...] = jnp.max(x.reshape(_RT // _S, _S, 64), axis=1)


def _full(shape):
    return pl.BlockSpec(shape, lambda t: tuple(0 for _ in shape))


def _run_mlp(g, qe, W0p, b0, g0, e0, W1, b1, g1, e1, W2, b2, g2, e2):
    row = lambda c: pl.BlockSpec((_RT, c), lambda t: (t, 0))
    y0, s0 = pl.pallas_call(
        _conv0_body,
        grid=(_NT,),
        in_specs=[row(_D), pl.BlockSpec((_RT // _S, _D), lambda t: (t, 0)),
                  _full((_D, 32)), _full((1, 32))],
        out_specs=(row(32), _full((2, 32))),
        out_shape=(jax.ShapeDtypeStruct((_P, 32), jnp.float32),
                   jax.ShapeDtypeStruct((2, 32), jnp.float32)),
        scratch_shapes=[pltpu.VMEM((2, 32), jnp.float32)],
    )(g, qe, W0p, b0)

    def normconv(yin, sin, gm, bt, w, b, cin, cout):
        return pl.pallas_call(
            _normconv_body,
            grid=(_NT,),
            in_specs=[row(cin), _full((2, cin)), _full((1, cin)),
                      _full((1, cin)), _full((cin, cout)), _full((1, cout))],
            out_specs=(row(cout), _full((2, cout))),
            out_shape=(jax.ShapeDtypeStruct((_P, cout), jnp.float32),
                       jax.ShapeDtypeStruct((2, cout), jnp.float32)),
            scratch_shapes=[pltpu.VMEM((2, cout), jnp.float32)],
        )(yin, sin, gm, bt, w, b)

    y1, s1 = normconv(y0, s0, g0, e0, W1, b1, 32, 32)
    y2, s2 = normconv(y1, s1, g1, e1, W2, b2, 32, 64)

    pooled = pl.pallas_call(
        _normpool_body,
        grid=(_NT,),
        in_specs=[row(64), _full((2, 64)), _full((1, 64)), _full((1, 64))],
        out_specs=pl.BlockSpec((_RT // _S, 64), lambda t: (t, 0)),
        out_shape=jax.ShapeDtypeStruct((_B * _M, 64), jnp.float32),
    )(y2, s2, g2, e2)
    return pooled



def kernel(points, features, W0, b0, gamma0, beta0, W1, b1, gamma1, beta1,
           W2, b2, gamma2, beta2):
    X = points[:, 0, :]
    Y = points[:, 1, :]
    Z = points[:, 2, :]
    fps_idx, qx, qy, qz = _run_fps(X, Y, Z)

    qpts = jnp.stack([qx, qy, qz], axis=-1)
    ind = _run_ball(qpts, points)

    pts_rows = jnp.transpose(points, (0, 2, 1))
    feat_rows = jnp.transpose(features, (0, 2, 1))
    pad = jnp.zeros((_B, _N, _D - 6), jnp.float32)
    table = jnp.concatenate([pts_rows, feat_rows, pad], axis=-1)
    table = table.reshape(_B * _N, _D)
    gidx = (ind + (jnp.arange(_B, dtype=jnp.int32) * _N)[:, None, None])
    gidx = gidx.reshape(_B * _M * _S)

    g = _run_sc_gather(table, gidx)

    qpad = jnp.zeros((_B, _M, _D - 3), jnp.float32)
    qrows = jnp.concatenate([qpts, qpad], axis=-1).reshape(_B * _M, _D)

    W0p = jnp.zeros((_D, 32), jnp.float32).at[:6, :].set(W0)
    as2d = lambda v: v.reshape(1, -1)
    pooled = _run_mlp(g, qrows, W0p, as2d(b0), as2d(gamma0), as2d(beta0),
                      W1, as2d(b1), as2d(gamma1), as2d(beta1),
                      W2, as2d(b2), as2d(gamma2), as2d(beta2))

    new_points = jnp.stack([qx, qy, qz], axis=1)
    new_features = jnp.transpose(pooled.reshape(_B, _M, 64), (0, 2, 1))
    return new_points, new_features

# --- scband reference (transcript-rebuilt; emitter-appended) ---
"""Pipeline reference for scband-set-conv-11802570130411 (READ-ONLY COPY).

The authoritative reference and input builder live on the scoring server;
editing this copy changes nothing except your own understanding.
"""

import jax, jax.numpy as jnp
import numpy as np

NUM_POINTS = 1024
RADIUS = 1.0
NUM_SAMPLES = 16
B, N, C_IN = 4, 8192, 3
CHANS = [C_IN + 3, 32, 32, 64]


def setup_inputs(seed: int = 0):
    key = jax.random.key(seed)
    ks = jax.random.split(key, 8)
    inp = {}
    inp["points"] = jax.random.normal(ks[0], (B, 3, N), dtype=jnp.float32)
    inp["features"] = jax.random.normal(ks[1], (B, C_IN, N), dtype=jnp.float32)
    for i in range(3):
        cin, cout = CHANS[i], CHANS[i + 1]
        inp[f"W{i}"] = jax.random.normal(ks[2 + i], (cin, cout), dtype=jnp.float32) / np.sqrt(cin)
        inp[f"b{i}"] = jnp.zeros((cout,), jnp.float32)
        inp[f"gamma{i}"] = jnp.ones((cout,), jnp.float32)
        inp[f"beta{i}"] = jnp.zeros((cout,), jnp.float32)
    return inp


def _fps_single(pts):
    n = pts.shape[0]

    def body(i, state):
        idxs, dists, last = state
        diff = pts - pts[last]
        d = jnp.sum(diff * diff, axis=1)
        dists = jnp.minimum(dists, d)
        nxt = jnp.argmax(dists).astype(jnp.int32)
        idxs = idxs.at[i].set(nxt)
        return (idxs, dists, nxt)

    idxs = jnp.zeros((NUM_POINTS,), jnp.int32)
    dists = jnp.full((n,), 1e10, jnp.float32)
    idxs, _, _ = jax.lax.fori_loop(1, NUM_POINTS, body, (idxs, dists, jnp.int32(0)))
    return idxs


def _gather(x, ind):
    # x: [B, C, N], ind: [B, ...] -> [B, C, ...]
    return jax.vmap(lambda xb, ib: xb[:, ib])(x, ind)


def _forward(points, features, params):
    pts_sg = jax.lax.stop_gradient(points)
    fps_idx = jax.vmap(_fps_single)(jnp.transpose(pts_sg, (0, 2, 1)))
    new_points = _gather(points, fps_idx)  # [B, 3, M]
    new_sg = jax.lax.stop_gradient(new_points)
    xx = jnp.sum(new_sg ** 2, axis=1)[:, :, None]
    yy = jnp.sum(pts_sg ** 2, axis=1)[:, None, :]
    cross = jnp.einsum('bcm,bcn->bmn', new_sg, pts_sg)
    dist2 = jnp.clip(xx + yy - 2.0 * cross, 0.0, None)  # [B, M, N]
    mask = dist2 < RADIUS * RADIUS
    n = dist2.shape[-1]
    cand = jnp.where(mask, jnp.arange(n, dtype=jnp.int32)[None, None, :], jnp.int32(n))
    sel = jnp.sort(cand, axis=-1)[..., :NUM_SAMPLES]
    first = sel[..., :1]
    first = jnp.where(first >= n, 0, first)
    ind = jnp.where(sel >= n, first, sel)  # [B, M, S] ball-query indices
    grouped_pts = _gather(points, ind) - new_points[:, :, :, None]  # [B, 3, M, S]
    grouped_feat = _gather(features, ind)  # [B, C, M, S]
    x = jnp.concatenate([grouped_pts, grouped_feat], axis=1)
    for (W, b, g, be) in params:
        x = jnp.einsum('bcms,co->boms', x, W) + b[None, :, None, None]
        mean = jnp.mean(x, axis=(0, 2, 3), keepdims=True)
        var = jnp.var(x, axis=(0, 2, 3), keepdims=True)
        x = (x - mean) / jnp.sqrt(var + 1e-3)
        x = x * g[None, :, None, None] + be[None, :, None, None]
        x = jnp.maximum(x, 0.0)
    new_features = jnp.max(x, axis=3)  # [B, 64, M]
    return (new_points, new_features)


def reference(points, features, W0, b0, gamma0, beta0, W1, b1, gamma1, beta1, W2, b2, gamma2, beta2):
    params = [(W0, b0, gamma0, beta0), (W1, b1, gamma1, beta1), (W2, b2, gamma2, beta2)]
    return _forward(points, features, params)

if __name__ == "__main__":
    import jax
    _d = setup_inputs()
    print(jax.jit(kernel)(*tuple(_d.values())))

</pallas_src>

<mosaic_0001>
#map = affine_map<(d0, d1) -> (0, 0)>
#map1 = affine_map<(d0, d1) -> (0)>
module attributes {stable_mosaic.version = 14 : i64} {
  func.func @k(%arg0: i32, %arg1: i32, %arg2: memref<32768x16xf32, #tpu.memory_space<hbm>>, %arg3: memref<65536xi32, #tpu.memory_space<hbm>>, %arg4: memref<65536x16xf32, #tpu.memory_space<hbm>>, %arg5: memref<2048xi32, #tpu.memory_space<vmem>>, %arg6: memref<2048x16xf32, #tpu.memory_space<vmem>>, %arg7: memref<!tpu.dma_semaphore, #tpu.memory_space<semaphore_mem>>) attributes {dimension_semantics = [#tpu.dimension_semantics<core_parallel>, #tpu.dimension_semantics<subcore_parallel>], iteration_bounds = array<i64: 2, 16>, scalar_prefetch = 0 : i64, scratch_operands = 3 : i64, tpu.core_type = #tpu.core_type<sc_vector_subcore>, window_params = [{transform_indices = #map}, {transform_indices = #map1}, {transform_indices = #map}]} {
    %mul3A = arith.constant 2 : i32
    %mul3A_0 = arith.muli %arg1, %mul3A : i32
    %add3A = arith.addi %mul3A_0, %arg0 : i32
    %mul3A_1 = arith.constant 2048 : i32
    %mul3A_2 = arith.muli %add3A, %mul3A_1 : i32
    "tpu.region"() ({
      %run_scoped3A = tpu.sem_alloc : memref<!tpu.dma_semaphore, #tpu.memory_space<semaphore_mem>>
      %dma_start3A_7 = tpu.memref_slice %arg3[%mul3A_2] : memref<65536xi32, #tpu.memory_space<hbm>> -> memref<2048xi32, #tpu.memory_space<hbm>>
      %dma_start3A_8 = tpu.memref_slice %arg3[%mul3A_2] : memref<65536xi32, #tpu.memory_space<hbm>> -> memref<2048xi32, #tpu.memory_space<hbm>>
      tpu.enqueue_dma source(%dma_start3A_8 : memref<2048xi32, #tpu.memory_space<hbm>>) target(%arg5 : memref<2048xi32, #tpu.memory_space<vmem>>) target_semaphore(%run_scoped3A : memref<!tpu.dma_semaphore, #tpu.memory_space<semaphore_mem>>)
      %dma_wait3A_9 = tpu.memref_slice %arg3[%mul3A_2] : memref<65536xi32, #tpu.memory_space<hbm>> -> memref<2048xi32, #tpu.memory_space<hbm>>
      %dma_wait3A_10 = tpu.memref_slice %arg3[%mul3A_2] : memref<65536xi32, #tpu.memory_space<hbm>> -> memref<2048xi32, #tpu.memory_space<hbm>>
      tpu.wait_dma2 semaphore(%run_scoped3A : memref<!tpu.dma_semaphore, #tpu.memory_space<semaphore_mem>>) src(%dma_wait3A_10 : memref<2048xi32, #tpu.memory_space<hbm>>) dst(%arg5 : memref<2048xi32, #tpu.memory_space<vmem>>)
      tpu.yield
    }) : () -> ()
    %dma_start3A = arith.constant 0 : i32
    %dma_start3A_3 = arith.constant 0 : i32
    %dma_start3A_4 = tpu.memref_slice %arg2[%dma_start3A, %dma_start3A_3] : memref<32768x16xf32, #tpu.memory_space<hbm>> -> memref<32768x16xf32, #tpu.memory_space<hbm>>
    tpu.enqueue_indirect_dma source(%dma_start3A_4 : memref<32768x16xf32, #tpu.memory_space<hbm>>) target(%arg6 : memref<2048x16xf32, #tpu.memory_space<vmem>>) offsets(%arg5 : memref<2048xi32, #tpu.memory_space<vmem>>) semaphore(%arg7 : memref<!tpu.dma_semaphore, #tpu.memory_space<semaphore_mem>>)
    %dma_wait3A = arith.constant 0 : i32
    %dma_wait3A_5 = arith.constant 0 : i32
    %dma_wait3A_6 = tpu.memref_slice %arg2[%dma_wait3A, %dma_wait3A_5] : memref<32768x16xf32, #tpu.memory_space<hbm>> -> memref<32768x16xf32, #tpu.memory_space<hbm>>
    tpu.wait_indirect_dma semaphore(%arg7 : memref<!tpu.dma_semaphore, #tpu.memory_space<semaphore_mem>>) src(%dma_wait3A_6 : memref<32768x16xf32, #tpu.memory_space<hbm>>) dst(%arg6 : memref<2048x16xf32, #tpu.memory_space<vmem>>)
    "tpu.region"() ({
      %run_scoped3A = tpu.sem_alloc : memref<!tpu.dma_semaphore, #tpu.memory_space<semaphore_mem>>
      %dma_start3A_7 = arith.constant 0 : i32
      %dma_start3A_8 = tpu.memref_slice %arg4[%mul3A_2, %dma_start3A_7] : memref<65536x16xf32, #tpu.memory_space<hbm>> -> memref<2048x16xf32, #tpu.memory_space<hbm>>
      %dma_start3A_9 = arith.constant 0 : i32
      %dma_start3A_10 = tpu.memref_slice %arg4[%mul3A_2, %dma_start3A_9] : memref<65536x16xf32, #tpu.memory_space<hbm>> -> memref<2048x16xf32, #tpu.memory_space<hbm>>
      tpu.enqueue_dma source(%arg6 : memref<2048x16xf32, #tpu.memory_space<vmem>>) target(%dma_start3A_10 : memref<2048x16xf32, #tpu.memory_space<hbm>>) target_semaphore(%run_scoped3A : memref<!tpu.dma_semaphore, #tpu.memory_space<semaphore_mem>>)
      %dma_wait3A_11 = arith.constant 0 : i32
      %dma_wait3A_12 = tpu.memref_slice %arg4[%mul3A_2, %dma_wait3A_11] : memref<65536x16xf32, #tpu.memory_space<hbm>> -> memref<2048x16xf32, #tpu.memory_space<hbm>>
      %dma_wait3A_13 = arith.constant 0 : i32
      %dma_wait3A_14 = tpu.memref_slice %arg4[%mul3A_2, %dma_wait3A_13] : memref<65536x16xf32, #tpu.memory_space<hbm>> -> memref<2048x16xf32, #tpu.memory_space<hbm>>
      tpu.wait_dma2 semaphore(%run_scoped3A : memref<!tpu.dma_semaphore, #tpu.memory_space<semaphore_mem>>) src(%arg6 : memref<2048x16xf32, #tpu.memory_space<vmem>>) dst(%dma_wait3A_14 : memref<2048x16xf32, #tpu.memory_space<hbm>>)
      tpu.yield
    }) : () -> ()
    return
  }
}

module attributes {stable_mosaic.version = 14 : i64} {
  func.func @_fps_body(%arg0: memref<4x8192xf32, #tpu.memory_space<vmem>>, %arg1: memref<4x8192xf32, #tpu.memory_space<vmem>>, %arg2: memref<4x8192xf32, #tpu.memory_space<vmem>>, %arg3: memref<4x1024xi32, #tpu.memory_space<vmem>>, %arg4: memref<4x1024xf32, #tpu.memory_space<vmem>>, %arg5: memref<4x1024xf32, #tpu.memory_space<vmem>>, %arg6: memref<4x1024xf32, #tpu.memory_space<vmem>>) attributes {dimension_semantics = [], scalar_prefetch = 0 : i64, scratch_operands = 0 : i64, tpu.core_type = #tpu.core_type<tc>} {
    %get3A = arith.constant 0 : index
    %get3A_0 = arith.constant 0 : index
    %get3A_1 = vector.load %arg0[%get3A, %get3A_0] : memref<4x8192xf32, #tpu.memory_space<vmem>>, vector<4x8192xf32>
    %get3A_2 = arith.constant 0 : index
    %get3A_3 = arith.constant 0 : index
    %get3A_4 = vector.load %arg1[%get3A_2, %get3A_3] : memref<4x8192xf32, #tpu.memory_space<vmem>>, vector<4x8192xf32>
    %get3A_5 = arith.constant 0 : index
    %get3A_6 = arith.constant 0 : index
    %get3A_7 = vector.load %arg2[%get3A_5, %get3A_6] : memref<4x8192xf32, #tpu.memory_space<vmem>>, vector<4x8192xf32>
    %concatenate3A = tpu.concatenate %get3A_1, %get3A_4, %get3A_7 in 0 : vector<4x8192xf32>, vector<4x8192xf32>, vector<4x8192xf32> -> vector<12x8192xf32>
    %iota3A = tpu.iota {dimensions = array<i32: 1>} : vector<4x8192xi32>
    %iota3A_8 = tpu.iota {dimensions = array<i32: 1>} : vector<12x8192xi32>
    %iota3A_9 = tpu.iota {dimensions = array<i32: 1>} : vector<4x1024xi32>
    %broadcast_in_dim3A = arith.constant 1.000000e+10 : f32
    %broadcast_in_dim3A_10 = vector.broadcast %broadcast_in_dim3A : f32 to vector<4x8192xf32>
    %broadcast_in_dim3A_11 = arith.constant 0 : i32
    %broadcast_in_dim3A_12 = vector.broadcast %broadcast_in_dim3A_11 : i32 to vector<4x1024xi32>
    %broadcast_in_dim3A_13 = arith.constant 0.000000e+00 : f32
    %broadcast_in_dim3A_14 = vector.broadcast %broadcast_in_dim3A_13 : f32 to vector<4x1024xf32>
    %broadcast_in_dim3A_15 = arith.constant 0 : i32
    %broadcast_in_dim3A_16 = vector.broadcast %broadcast_in_dim3A_15 : i32 to vector<4x1xi32>
    %scan3A = arith.constant 1 : i32
    %scan3A_17 = arith.constant 1023 : i32
    %scan3A_18 = arith.addi %scan3A, %scan3A_17 : i32
    %scan3A_19 = arith.constant 1 : i32
    %scan3A_20:6 = scf.for %scan3A_58 = %scan3A to %scan3A_18 step %scan3A_19 iter_args(%scan3A_59 = %broadcast_in_dim3A_10, %scan3A_60 = %broadcast_in_dim3A_12, %scan3A_61 = %broadcast_in_dim3A_14, %scan3A_62 = %broadcast_in_dim3A_14, %scan3A_63 = %broadcast_in_dim3A_14, %scan3A_64 = %broadcast_in_dim3A_16) -> (vector<4x8192xf32>, vector<4x1024xi32>, vector<4x1024xf32>, vector<4x1024xf32>, vector<4x1024xf32>, vector<4x1xi32>)  : i32 {
      %concatenate3A_65 = tpu.concatenate %scan3A_64, %scan3A_64, %scan3A_64 in 0 : vector<4x1xi32>, vector<4x1xi32>, vector<4x1xi32> -> vector<12x1xi32>
      %eq3A_66 = vector.broadcast %concatenate3A_65 : vector<12x1xi32> to vector<12x8192xi32>
      %eq3A_67 = arith.cmpi eq, %iota3A_8, %eq3A_66 : vector<12x8192xi32>
      %jit3A_68 = arith.constant 0.000000e+00 : f32
      %broadcast_in_dim3A_69 = vector.broadcast %jit3A_68 : f32 to vector<12x8192xf32>
      %select_n3A_70 = arith.select %eq3A_67, %concatenate3A, %broadcast_in_dim3A_69 : vector<12x8192xi1>, vector<12x8192xf32>
      %reduce_sum3A_71 = arith.constant dense<0.000000e+00> : vector<12xf32>
      %reduce_sum3A_72 = vector.multi_reduction <add>, %select_n3A_70, %reduce_sum3A_71 [1] : vector<12x8192xf32> to vector<12xf32>
      %broadcast_in_dim3A_73 = vector.shape_cast %reduce_sum3A_72 : vector<12xf32> to vector<12x1xf32>
      %slice3A_74 = vector.extract_strided_slice %broadcast_in_dim3A_73 {offsets = [0, 0], sizes = [4, 1], strides = [1, 1]} : vector<12x1xf32> to vector<4x1xf32>
      %slice3A_75 = vector.extract_strided_slice %broadcast_in_dim3A_73 {offsets = [4, 0], sizes = [4, 1], strides = [1, 1]} : vector<12x1xf32> to vector<4x1xf32>
      %slice3A_76 = vector.extract_strided_slice %broadcast_in_dim3A_73 {offsets = [8, 0], sizes = [4, 1], strides = [1, 1]} : vector<12x1xf32> to vector<4x1xf32>
      %sub3A = arith.constant 1 : i32
      %sub3A_77 = arith.subi %scan3A_58, %sub3A : i32
      %eq3A_78 = vector.broadcast %sub3A_77 : i32 to vector<4x1024xi32>
      %eq3A_79 = arith.cmpi eq, %iota3A_9, %eq3A_78 : vector<4x1024xi32>
      %broadcast_in_dim3A_80 = vector.shape_cast %slice3A_74 : vector<4x1xf32> to vector<4x1xf32>
      %broadcast_in_dim3A_81 = vector.broadcast %broadcast_in_dim3A_80 : vector<4x1xf32> to vector<4x1024xf32>
      %select_n3A_82 = arith.select %eq3A_79, %broadcast_in_dim3A_81, %scan3A_61 : vector<4x1024xi1>, vector<4x1024xf32>
      %sub3A_83 = arith.constant 1 : i32
      %sub3A_84 = arith.subi %scan3A_58, %sub3A_83 : i32
      %eq3A_85 = vector.broadcast %sub3A_84 : i32 to vector<4x1024xi32>
      %eq3A_86 = arith.cmpi eq, %iota3A_9, %eq3A_85 : vector<4x1024xi32>
      %broadcast_in_dim3A_87 = vector.shape_cast %slice3A_75 : vector<4x1xf32> to vector<4x1xf32>
      %broadcast_in_dim3A_88 = vector.broadcast %broadcast_in_dim3A_87 : vector<4x1xf32> to vector<4x1024xf32>
      %select_n3A_89 = arith.select %eq3A_86, %broadcast_in_dim3A_88, %scan3A_62 : vector<4x1024xi1>, vector<4x1024xf32>
      %sub3A_90 = arith.constant 1 : i32
      %sub3A_91 = arith.subi %scan3A_58, %sub3A_90 : i32
      %eq3A_92 = vector.broadcast %sub3A_91 : i32 to vector<4x1024xi32>
      %eq3A_93 = arith.cmpi eq, %iota3A_9, %eq3A_92 : vector<4x1024xi32>
      %broadcast_in_dim3A_94 = vector.shape_cast %slice3A_76 : vector<4x1xf32> to vector<4x1xf32>
      %broadcast_in_dim3A_95 = vector.broadcast %broadcast_in_dim3A_94 : vector<4x1xf32> to vector<4x1024xf32>
      %select_n3A_96 = arith.select %eq3A_93, %broadcast_in_dim3A_95, %scan3A_63 : vector<4x1024xi1>, vector<4x1024xf32>
      %sub3A_97 = vector.broadcast %slice3A_74 : vector<4x1xf32> to vector<4x8192xf32>
      %sub3A_98 = arith.subf %get3A_1, %sub3A_97 : vector<4x8192xf32>
      %sub3A_99 = vector.broadcast %slice3A_75 : vector<4x1xf32> to vector<4x8192xf32>
      %sub3A_100 = arith.subf %get3A_4, %sub3A_99 : vector<4x8192xf32>
      %sub3A_101 = vector.broadcast %slice3A_76 : vector<4x1xf32> to vector<4x8192xf32>
      %sub3A_102 = arith.subf %get3A_7, %sub3A_101 : vector<4x8192xf32>
      %mul3A = arith.mulf %sub3A_98, %sub3A_98 : vector<4x8192xf32>
      %mul3A_103 = arith.mulf %sub3A_100, %sub3A_100 : vector<4x8192xf32>
      %add3A = arith.addf %mul3A, %mul3A_103 : vector<4x8192xf32>
      %mul3A_104 = arith.mulf %sub3A_102, %sub3A_102 : vector<4x8192xf32>
      %add3A_105 = arith.addf %add3A, %mul3A_104 : vector<4x8192xf32>
      %min3A = arith.minimumf %scan3A_59, %add3A_105 : vector<4x8192xf32>
      %reduce_max3A = arith.constant dense<0xFF800000> : vector<4xf32>
      %reduce_max3A_106 = vector.multi_reduction <maximumf>, %min3A, %reduce_max3A [1] : vector<4x8192xf32> to vector<4xf32>
      %broadcast_in_dim3A_107 = vector.shape_cast %reduce_max3A_106 : vector<4xf32> to vector<4x1xf32>
      %eq3A_108 = vector.broadcast %broadcast_in_dim3A_107 : vector<4x1xf32> to vector<4x8192xf32>
      %eq3A_109 = arith.cmpf oeq, %min3A, %eq3A_108 : vector<4x8192xf32>
      %jit3A_110 = arith.constant 8192 : i32
      %broadcast_in_dim3A_111 = vector.broadcast %jit3A_110 : i32 to vector<4x8192xi32>
      %select_n3A_112 = arith.select %eq3A_109, %iota3A, %broadcast_in_dim3A_111 : vector<4x8192xi1>, vector<4x8192xi32>
      %reduce_min3A = arith.constant dense<2147483647> : vector<4xi32>
      %reduce_min3A_113 = vector.multi_reduction <minsi>, %select_n3A_112, %reduce_min3A [1] : vector<4x8192xi32> to vector<4xi32>
      %broadcast_in_dim3A_114 = vector.shape_cast %reduce_min3A_113 : vector<4xi32> to vector<4x1xi32>
      %eq3A_115 = vector.broadcast %scan3A_58 : i32 to vector<4x1024xi32>
      %eq3A_116 = arith.cmpi eq, %iota3A_9, %eq3A_115 : vector<4x1024xi32>
      %broadcast_in_dim3A_117 = vector.shape_cast %broadcast_in_dim3A_114 : vector<4x1xi32> to vector<4x1xi32>
      %broadcast_in_dim3A_118 = vector.broadcast %broadcast_in_dim3A_117 : vector<4x1xi32> to vector<4x1024xi32>
      %select_n3A_119 = arith.select %eq3A_116, %broadcast_in_dim3A_118, %scan3A_60 : vector<4x1024xi1>, vector<4x1024xi32>
      scf.yield %min3A, %select_n3A_119, %select_n3A_82, %select_n3A_89, %select_n3A_96, %broadcast_in_dim3A_114 : vector<4x8192xf32>, vector<4x1024xi32>, vector<4x1024xf32>, vector<4x1024xf32>, vector<4x1024xf32>, vector<4x1xi32>
    }
    %scan3A_21 = arith.constant 1023 : i32
    %concatenate3A_22 = tpu.concatenate %scan3A_20#5, %scan3A_20#5, %scan3A_20#5 in 0 : vector<4x1xi32>, vector<4x1xi32>, vector<4x1xi32> -> vector<12x1xi32>
    %eq3A = vector.broadcast %concatenate3A_22 : vector<12x1xi32> to vector<12x8192xi32>
    %eq3A_23 = arith.cmpi eq, %iota3A_8, %eq3A : vector<12x8192xi32>
    %jit3A = arith.constant 0.000000e+00 : f32
    %broadcast_in_dim3A_24 = vector.broadcast %jit3A : f32 to vector<12x8192xf32>
    %select_n3A = arith.select %eq3A_23, %concatenate3A, %broadcast_in_dim3A_24 : vector<12x8192xi1>, vector<12x8192xf32>
    %reduce_sum3A = arith.constant dense<0.000000e+00> : vector<12xf32>
    %reduce_sum3A_25 = vector.multi_reduction <add>, %select_n3A, %reduce_sum3A [1] : vector<12x8192xf32> to vector<12xf32>
    %broadcast_in_dim3A_26 = vector.shape_cast %reduce_sum3A_25 : vector<12xf32> to vector<12x1xf32>
    %slice3A = vector.extract_strided_slice %broadcast_in_dim3A_26 {offsets = [0, 0], sizes = [4, 1], strides = [1, 1]} : vector<12x1xf32> to vector<4x1xf32>
    %slice3A_27 = vector.extract_strided_slice %broadcast_in_dim3A_26 {offsets = [4, 0], sizes = [4, 1], strides = [1, 1]} : vector<12x1xf32> to vector<4x1xf32>
    %slice3A_28 = vector.extract_strided_slice %broadcast_in_dim3A_26 {offsets = [8, 0], sizes = [4, 1], strides = [1, 1]} : vector<12x1xf32> to vector<4x1xf32>
    %eq3A_29 = arith.constant 1023 : i32
    %eq3A_30 = vector.broadcast %eq3A_29 : i32 to vector<4x1024xi32>
    %eq3A_31 = arith.cmpi eq, %iota3A_9, %eq3A_30 : vector<4x1024xi32>
    %broadcast_in_dim3A_32 = vector.shape_cast %slice3A : vector<4x1xf32> to vector<4x1xf32>
    %broadcast_in_dim3A_33 = vector.broadcast %broadcast_in_dim3A_32 : vector<4x1xf32> to vector<4x1024xf32>
    %select_n3A_34 = arith.select %eq3A_31, %broadcast_in_dim3A_33, %scan3A_20#2 : vector<4x1024xi1>, vector<4x1024xf32>
    %eq3A_35 = arith.constant 1023 : i32
    %eq3A_36 = vector.broadcast %eq3A_35 : i32 to vector<4x1024xi32>
    %eq3A_37 = arith.cmpi eq, %iota3A_9, %eq3A_36 : vector<4x1024xi32>
    %broadcast_in_dim3A_38 = vector.shape_cast %slice3A_27 : vector<4x1xf32> to vector<4x1xf32>
    %broadcast_in_dim3A_39 = vector.broadcast %broadcast_in_dim3A_38 : vector<4x1xf32> to vector<4x1024xf32>
    %select_n3A_40 = arith.select %eq3A_37, %broadcast_in_dim3A_39, %scan3A_20#3 : vector<4x1024xi1>, vector<4x1024xf32>
    %eq3A_41 = arith.constant 1023 : i32
    %eq3A_42 = vector.broadcast %eq3A_41 : i32 to vector<4x1024xi32>
    %eq3A_43 = arith.cmpi eq, %iota3A_9, %eq3A_42 : vector<4x1024xi32>
    %broadcast_in_dim3A_44 = vector.shape_cast %slice3A_28 : vector<4x1xf32> to vector<4x1xf32>
    %broadcast_in_dim3A_45 = vector.broadcast %broadcast_in_dim3A_44 : vector<4x1xf32> to vector<4x1024xf32>
    %select_n3A_46 = arith.select %eq3A_43, %broadcast_in_dim3A_45, %scan3A_20#4 : vector<4x1024xi1>, vector<4x1024xf32>
    %swap3A = arith.constant 0 : index
    %swap3A_47 = arith.constant 0 : index
    %swap3A_48 = vector.load %arg3[%swap3A, %swap3A_47] : memref<4x1024xi32, #tpu.memory_space<vmem>>, vector<4x1024xi32>
    tpu.vector_store %arg3[%swap3A, %swap3A_47], %scan3A_20#1 {strides = array<i32>} : memref<4x1024xi32, #tpu.memory_space<vmem>>, vector<4x1024xi32>,
    %swap3A_49 = arith.constant 0 : index
    %swap3A_50 = arith.constant 0 : index
    %swap3A_51 = vector.load %arg4[%swap3A_49, %swap3A_50] : memref<4x1024xf32, #tpu.memory_space<vmem>>, vector<4x1024xf32>
    tpu.vector_store %arg4[%swap3A_49, %swap3A_50], %select_n3A_34 {strides = array<i32>} : memref<4x1024xf32, #tpu.memory_space<vmem>>, vector<4x1024xf32>,
    %swap3A_52 = arith.constant 0 : index
    %swap3A_53 = arith.constant 0 : index
    %swap3A_54 = vector.load %arg5[%swap3A_52, %swap3A_53] : memref<4x1024xf32, #tpu.memory_space<vmem>>, vector<4x1024xf32>
    tpu.vector_store %arg5[%swap3A_52, %swap3A_53], %select_n3A_40 {strides = array<i32>} : memref<4x1024xf32, #tpu.memory_space<vmem>>, vector<4x1024xf32>,
    %swap3A_55 = arith.constant 0 : index
    %swap3A_56 = arith.constant 0 : index
    %swap3A_57 = vector.load %arg6[%swap3A_55, %swap3A_56] : memref<4x1024xf32, #tpu.memory_space<vmem>>, vector<4x1024xf32>
    tpu.vector_store %arg6[%swap3A_55, %swap3A_56], %select_n3A_46 {strides = array<i32>} : memref<4x1024xf32, #tpu.memory_space<vmem>>, vector<4x1024xf32>,
    return
  }
}

module attributes {stable_mosaic.version = 14 : i64} {
  func.func @_ball_body(%arg0: i32, %arg1: i32, %arg2: memref<1x128x3xf32, #tpu.memory_space<vmem>>, %arg3: memref<1x3x8192xf32, #tpu.memory_space<vmem>>, %arg4: memref<1x128x16xi32, #tpu.memory_space<vmem>>) attributes {dimension_semantics = [#tpu.dimension_semantics<arbitrary>, #tpu.dimension_semantics<arbitrary>], iteration_bounds = array<i64: 4, 8>, scalar_prefetch = 0 : i64, scratch_operands = 0 : i64, tpu.core_type = #tpu.core_type<tc>, window_params = [{transform_indices = @transform_0, window_bounds = array<i64: 1, 128, 3>}, {transform_indices = @transform_1, window_bounds = array<i64: 1, 3, 8192>}, {transform_indices = @transform_2, window_bounds = array<i64: 1, 128, 16>}]} {
    %get3A = arith.constant 0 : index
    %get3A_0 = arith.constant 0 : index
    %get3A_1 = arith.constant 0 : index
    %get3A_2 = vector.load %arg2[%get3A, %get3A_0, %get3A_1] : memref<1x128x3xf32, #tpu.memory_space<vmem>>, vector<1x128x3xf32>
    %reshape3A = vector.shape_cast %get3A_2 : vector<1x128x3xf32> to vector<128x3xf32>
    %slice3A = vector.extract_strided_slice %reshape3A {offsets = [0, 0], sizes = [128, 1], strides = [1, 1]} : vector<128x3xf32> to vector<128x1xf32>
    %slice3A_3 = vector.extract_strided_slice %reshape3A {offsets = [0, 1], sizes = [128, 1], strides = [1, 1]} : vector<128x3xf32> to vector<128x1xf32>
    %slice3A_4 = vector.extract_strided_slice %reshape3A {offsets = [0, 2], sizes = [128, 1], strides = [1, 1]} : vector<128x3xf32> to vector<128x1xf32>
    %get3A_5 = arith.constant 0 : index
    %get3A_6 = arith.constant 0 : index
    %get3A_7 = arith.constant 0 : index
    %get3A_8 = vector.load %arg3[%get3A_5, %get3A_6, %get3A_7] : memref<1x3x8192xf32, #tpu.memory_space<vmem>>, vector<1x3x8192xf32>
    %reshape3A_9 = vector.shape_cast %get3A_8 : vector<1x3x8192xf32> to vector<3x8192xf32>
    %slice3A_10 = vector.extract_strided_slice %reshape3A_9 {offsets = [0, 0], sizes = [1, 8192], strides = [1, 1]} : vector<3x8192xf32> to vector<1x8192xf32>
    %slice3A_11 = vector.extract_strided_slice %reshape3A_9 {offsets = [1, 0], sizes = [1, 8192], strides = [1, 1]} : vector<3x8192xf32> to vector<1x8192xf32>
    %slice3A_12 = vector.extract_strided_slice %reshape3A_9 {offsets = [2, 0], sizes = [1, 8192], strides = [1, 1]} : vector<3x8192xf32> to vector<1x8192xf32>
    %mul3A = arith.mulf %slice3A, %slice3A : vector<128x1xf32>
    %mul3A_13 = arith.mulf %slice3A_3, %slice3A_3 : vector<128x1xf32>
    %add3A = arith.addf %mul3A, %mul3A_13 : vector<128x1xf32>
    %mul3A_14 = arith.mulf %slice3A_4, %slice3A_4 : vector<128x1xf32>
    %add3A_15 = arith.addf %add3A, %mul3A_14 : vector<128x1xf32>
    %mul3A_16 = arith.mulf %slice3A_10, %slice3A_10 : vector<1x8192xf32>
    %mul3A_17 = arith.mulf %slice3A_11, %slice3A_11 : vector<1x8192xf32>
    %add3A_18 = arith.addf %mul3A_16, %mul3A_17 : vector<1x8192xf32>
    %mul3A_19 = arith.mulf %slice3A_12, %slice3A_12 : vector<1x8192xf32>
    %add3A_20 = arith.addf %add3A_18, %mul3A_19 : vector<1x8192xf32>
    %convert_element_type3A = arith.truncf %reshape3A : vector<128x3xf32> to vector<128x3xbf16>
    %convert_element_type3A_21 = arith.truncf %reshape3A_9 : vector<3x8192xf32> to vector<3x8192xbf16>
    %dot_general3A = arith.constant dense<0.000000e+00> : vector<128x8192xf32>
    %dot_general3A_22 = tpu.matmul %convert_element_type3A, %convert_element_type3A_21, %dot_general3A {dimension_numbers = #tpu.dot_dimension_numbers<[1], [0], [0], [1], [0, 0, 1, 1], [], []>, transpose_lhs_hint = false} : vector<128x3xbf16>, vector<3x8192xbf16>, vector<128x8192xf32> -> vector<128x8192xf32>
    %add3A_23 = vector.broadcast %add3A_15 : vector<128x1xf32> to vector<128x8192xf32>
    %add3A_24 = vector.broadcast %add3A_20 : vector<1x8192xf32> to vector<128x8192xf32>
    %add3A_25 = arith.addf %add3A_23, %add3A_24 : vector<128x8192xf32>
    %mul3A_26 = arith.constant 2.000000e+00 : f32
    %mul3A_27 = vector.broadcast %mul3A_26 : f32 to vector<128x8192xf32>
    %mul3A_28 = arith.mulf %mul3A_27, %dot_general3A_22 : vector<128x8192xf32>
    %sub3A = arith.subf %add3A_25, %mul3A_28 : vector<128x8192xf32>
    %max3A = arith.constant 0.000000e+00 : f32
    %max3A_29 = vector.broadcast %max3A : f32 to vector<128x8192xf32>
    %max3A_30 = arith.maximumf %sub3A, %max3A_29 : vector<128x8192xf32>
    %iota3A = tpu.iota {dimensions = array<i32: 1>} : vector<128x8192xi32>
    %lt3A = arith.constant 1.000000e+00 : f32
    %lt3A_31 = vector.broadcast %lt3A : f32 to vector<128x8192xf32>
    %lt3A_32 = arith.cmpf olt, %max3A_30, %lt3A_31 : vector<128x8192xf32>
    %jit3A = arith.constant 8192 : i32
    %broadcast_in_dim3A = vector.broadcast %jit3A : i32 to vector<128x8192xi32>
    %select_n3A = arith.select %lt3A_32, %iota3A, %broadcast_in_dim3A : vector<128x8192xi1>, vector<128x8192xi32>
    %iota3A_33 = tpu.iota {dimensions = array<i32: 1>} : vector<128x16xi32>
    %broadcast_in_dim3A_34 = arith.constant 8192 : i32
    %broadcast_in_dim3A_35 = vector.broadcast %broadcast_in_dim3A_34 : i32 to vector<128x16xi32>
    %reduce_min3A = arith.constant dense<2147483647> : vector<128xi32>
    %reduce_min3A_36 = vector.multi_reduction <minsi>, %select_n3A, %reduce_min3A [1] : vector<128x8192xi32> to vector<128xi32>
    %broadcast_in_dim3A_37 = vector.shape_cast %reduce_min3A_36 : vector<128xi32> to vector<128x1xi32>
    %eq3A = arith.constant 0 : i32
    %eq3A_38 = vector.broadcast %eq3A : i32 to vector<128x16xi32>
    %eq3A_39 = arith.cmpi eq, %iota3A_33, %eq3A_38 : vector<128x16xi32>
    %broadcast_in_dim3A_40 = vector.shape_cast %broadcast_in_dim3A_37 : vector<128x1xi32> to vector<128x1xi32>
    %broadcast_in_dim3A_41 = vector.broadcast %broadcast_in_dim3A_40 : vector<128x1xi32> to vector<128x16xi32>
    %select_n3A_42 = arith.select %eq3A_39, %broadcast_in_dim3A_41, %broadcast_in_dim3A_35 : vector<128x16xi1>, vector<128x16xi32>
    %eq3A_43 = vector.broadcast %broadcast_in_dim3A_37 : vector<128x1xi32> to vector<128x8192xi32>
    %eq3A_44 = arith.cmpi eq, %select_n3A, %eq3A_43 : vector<128x8192xi32>
    %jit3A_45 = arith.constant 8192 : i32
    %broadcast_in_dim3A_46 = vector.broadcast %jit3A_45 : i32 to vector<128x8192xi32>
    %select_n3A_47 = arith.select %eq3A_44, %broadcast_in_dim3A_46, %select_n3A : vector<128x8192xi1>, vector<128x8192xi32>
    %reduce_min3A_48 = arith.constant dense<2147483647> : vector<128xi32>
    %reduce_min3A_49 = vector.multi_reduction <minsi>, %select_n3A_47, %reduce_min3A_48 [1] : vector<128x8192xi32> to vector<128xi32>
    %broadcast_in_dim3A_50 = vector.shape_cast %reduce_min3A_49 : vector<128xi32> to vector<128x1xi32>
    %eq3A_51 = arith.constant 1 : i32
    %eq3A_52 = vector.broadcast %eq3A_51 : i32 to vector<128x16xi32>
    %eq3A_53 = arith.cmpi eq, %iota3A_33, %eq3A_52 : vector<128x16xi32>
    %broadcast_in_dim3A_54 = vector.shape_cast %broadcast_in_dim3A_50 : vector<128x1xi32> to vector<128x1xi32>
    %broadcast_in_dim3A_55 = vector.broadcast %broadcast_in_dim3A_54 : vector<128x1xi32> to vector<128x16xi32>
    %select_n3A_56 = arith.select %eq3A_53, %broadcast_in_dim3A_55, %select_n3A_42 : vector<128x16xi1>, vector<128x16xi32>
    %eq3A_57 = vector.broadcast %broadcast_in_dim3A_50 : vector<128x1xi32> to vector<128x8192xi32>
    %eq3A_58 = arith.cmpi eq, %select_n3A_47, %eq3A_57 : vector<128x8192xi32>
    %jit3A_59 = arith.constant 8192 : i32
    %broadcast_in_dim3A_60 = vector.broadcast %jit3A_59 : i32 to vector<128x8192xi32>
    %select_n3A_61 = arith.select %eq3A_58, %broadcast_in_dim3A_60, %select_n3A_47 : vector<128x8192xi1>, vector<128x8192xi32>
    %reduce_min3A_62 = arith.constant dense<2147483647> : vector<128xi32>
    %reduce_min3A_63 = vector.multi_reduction <minsi>, %select_n3A_61, %reduce_min3A_62 [1] : vector<128x8192xi32> to vector<128xi32>
    %broadcast_in_dim3A_64 = vector.shape_cast %reduce_min3A_63 : vector<128xi32> to vector<128x1xi32>
    %eq3A_65 = arith.constant 2 : i32
    %eq3A_66 = vector.broadcast %eq3A_65 : i32 to vector<128x16xi32>
    %eq3A_67 = arith.cmpi eq, %iota3A_33, %eq3A_66 : vector<128x16xi32>
    %broadcast_in_dim3A_68 = vector.shape_cast %broadcast_in_dim3A_64 : vector<128x1xi32> to vector<128x1xi32>
    %broadcast_in_dim3A_69 = vector.broadcast %broadcast_in_dim3A_68 : vector<128x1xi32> to vector<128x16xi32>
    %select_n3A_70 = arith.select %eq3A_67, %broadcast_in_dim3A_69, %select_n3A_56 : vector<128x16xi1>, vector<128x16xi32>
    %eq3A_71 = vector.broadcast %broadcast_in_dim3A_64 : vector<128x1xi32> to vector<128x8192xi32>
    %eq3A_72 = arith.cmpi eq, %select_n3A_61, %eq3A_71 : vector<128x8192xi32>
    %jit3A_73 = arith.constant 8192 : i32
    %broadcast_in_dim3A_74 = vector.broadcast %jit3A_73 : i32 to vector<128x8192xi32>
    %select_n3A_75 = arith.select %eq3A_72, %broadcast_in_dim3A_74, %select_n3A_61 : vector<128x8192xi1>, vector<128x8192xi32>
    %reduce_min3A_76 = arith.constant dense<2147483647> : vector<128xi32>
    %reduce_min3A_77 = vector.multi_reduction <minsi>, %select_n3A_75, %reduce_min3A_76 [1] : vector<128x8192xi32> to vector<128xi32>
    %broadcast_in_dim3A_78 = vector.shape_cast %reduce_min3A_77 : vector<128xi32> to vector<128x1xi32>
    %eq3A_79 = arith.constant 3 : i32
    %eq3A_80 = vector.broadcast %eq3A_79 : i32 to vector<128x16xi32>
    %eq3A_81 = arith.cmpi eq, %iota3A_33, %eq3A_80 : vector<128x16xi32>
    %broadcast_in_dim3A_82 = vector.shape_cast %broadcast_in_dim3A_78 : vector<128x1xi32> to vector<128x1xi32>
    %broadcast_in_dim3A_83 = vector.broadcast %broadcast_in_dim3A_82 : vector<128x1xi32> to vector<128x16xi32>
    %select_n3A_84 = arith.select %eq3A_81, %broadcast_in_dim3A_83, %select_n3A_70 : vector<128x16xi1>, vector<128x16xi32>
    %eq3A_85 = vector.broadcast %broadcast_in_dim3A_78 : vector<128x1xi32> to vector<128x8192xi32>
    %eq3A_86 = arith.cmpi eq, %select_n3A_75, %eq3A_85 : vector<128x8192xi32>
    %jit3A_87 = arith.constant 8192 : i32
    %broadcast_in_dim3A_88 = vector.broadcast %jit3A_87 : i32 to vector<128x8192xi32>
    %select_n3A_89 = arith.select %eq3A_86, %broadcast_in_dim3A_88, %select_n3A_75 : vector<128x8192xi1>, vector<128x8192xi32>
    %reduce_min3A_90 = arith.constant dense<2147483647> : vector<128xi32>
    %reduce_min3A_91 = vector.multi_reduction <minsi>, %select_n3A_89, %reduce_min3A_90 [1] : vector<128x8192xi32> to vector<128xi32>
    %broadcast_in_dim3A_92 = vector.shape_cast %reduce_min3A_91 : vector<128xi32> to vector<128x1xi32>
    %eq3A_93 = arith.constant 4 : i32
    %eq3A_94 = vector.broadcast %eq3A_93 : i32 to vector<128x16xi32>
    %eq3A_95 = arith.cmpi eq, %iota3A_33, %eq3A_94 : vector<128x16xi32>
    %broadcast_in_dim3A_96 = vector.shape_cast %broadcast_in_dim3A_92 : vector<128x1xi32> to vector<128x1xi32>
    %broadcast_in_dim3A_97 = vector.broadcast %broadcast_in_dim3A_96 : vector<128x1xi32> to vector<128x16xi32>
    %select_n3A_98 = arith.select %eq3A_95, %broadcast_in_dim3A_97, %select_n3A_84 : vector<128x16xi1>, vector<128x16xi32>
    %eq3A_99 = vector.broadcast %broadcast_in_dim3A_92 : vector<128x1xi32> to vector<128x8192xi32>
    %eq3A_100 = arith.cmpi eq, %select_n3A_89, %eq3A_99 : vector<128x8192xi32>
    %jit3A_101 = arith.constant 8192 : i32
    %broadcast_in_dim3A_102 = vector.broadcast %jit3A_101 : i32 to vector<128x8192xi32>
    %select_n3A_103 = arith.select %eq3A_100, %broadcast_in_dim3A_102, %select_n3A_89 : vector<128x8192xi1>, vector<128x8192xi32>
    %reduce_min3A_104 = arith.constant dense<2147483647> : vector<128xi32>
    %reduce_min3A_105 = vector.multi_reduction <minsi>, %select_n3A_103, %reduce_min3A_104 [1] : vector<128x8192xi32> to vector<128xi32>
    %broadcast_in_dim3A_106 = vector.shape_cast %reduce_min3A_105 : vector<128xi32> to vector<128x1xi32>
    %eq3A_107 = arith.constant 5 : i32
    %eq3A_108 = vector.broadcast %eq3A_107 : i32 to vector<128x16xi32>
    %eq3A_109 = arith.cmpi eq, %iota3A_33, %eq3A_108 : vector<128x16xi32>
    %broadcast_in_dim3A_110 = vector.shape_cast %broadcast_in_dim3A_106 : vector<128x1xi32> to vector<128x1xi32>
    %broadcast_in_dim3A_111 = vector.broadcast %broadcast_in_dim3A_110 : vector<128x1xi32> to vector<128x16xi32>
    %select_n3A_112 = arith.select %eq3A_109, %broadcast_in_dim3A_111, %select_n3A_98 : vector<128x16xi1>, vector<128x16xi32>
    %eq3A_113 = vector.broadcast %broadcast_in_dim3A_106 : vector<128x1xi32> to vector<128x8192xi32>
    %eq3A_114 = arith.cmpi eq, %select_n3A_103, %eq3A_113 : vector<128x8192xi32>
    %jit3A_115 = arith.constant 8192 : i32
    %broadcast_in_dim3A_116 = vector.broadcast %jit3A_115 : i32 to vector<128x8192xi32>
    %select_n3A_117 = arith.select %eq3A_114, %broadcast_in_dim3A_116, %select_n3A_103 : vector<128x8192xi1>, vector<128x8192xi32>
    %reduce_min3A_118 = arith.constant dense<2147483647> : vector<128xi32>
    %reduce_min3A_119 = vector.multi_reduction <minsi>, %select_n3A_117, %reduce_min3A_118 [1] : vector<128x8192xi32> to vector<128xi32>
    %broadcast_in_dim3A_120 = vector.shape_cast %reduce_min3A_119 : vector<128xi32> to vector<128x1xi32>
    %eq3A_121 = arith.constant 6 : i32
    %eq3A_122 = vector.broadcast %eq3A_121 : i32 to vector<128x16xi32>
    %eq3A_123 = arith.cmpi eq, %iota3A_33, %eq3A_122 : vector<128x16xi32>
    %broadcast_in_dim3A_124 = vector.shape_cast %broadcast_in_dim3A_120 : vector<128x1xi32> to vector<128x1xi32>
    %broadcast_in_dim3A_125 = vector.broadcast %broadcast_in_dim3A_124 : vector<128x1xi32> to vector<128x16xi32>
    %select_n3A_126 = arith.select %eq3A_123, %broadcast_in_dim3A_125, %select_n3A_112 : vector<128x16xi1>, vector<128x16xi32>
    %eq3A_127 = vector.broadcast %broadcast_in_dim3A_120 : vector<128x1xi32> to vector<128x8192xi32>
    %eq3A_128 = arith.cmpi eq, %select_n3A_117, %eq3A_127 : vector<128x8192xi32>
    %jit3A_129 = arith.constant 8192 : i32
    %broadcast_in_dim3A_130 = vector.broadcast %jit3A_129 : i32 to vector<128x8192xi32>
    %select_n3A_131 = arith.select %eq3A_128, %broadcast_in_dim3A_130, %select_n3A_117 : vector<128x8192xi1>, vector<128x8192xi32>
    %reduce_min3A_132 = arith.constant dense<2147483647> : vector<128xi32>
    %reduce_min3A_133 = vector.multi_reduction <minsi>, %select_n3A_131, %reduce_min3A_132 [1] : vector<128x8192xi32> to vector<128xi32>
    %broadcast_in_dim3A_134 = vector.shape_cast %reduce_min3A_133 : vector<128xi32> to vector<128x1xi32>
    %eq3A_135 = arith.constant 7 : i32
    %eq3A_136 = vector.broadcast %eq3A_135 : i32 to vector<128x16xi32>
    %eq3A_137 = arith.cmpi eq, %iota3A_33, %eq3A_136 : vector<128x16xi32>
    %broadcast_in_dim3A_138 = vector.shape_cast %broadcast_in_dim3A_134 : vector<128x1xi32> to vector<128x1xi32>
    %broadcast_in_dim3A_139 = vector.broadcast %broadcast_in_dim3A_138 : vector<128x1xi32> to vector<128x16xi32>
    %select_n3A_140 = arith.select %eq3A_137, %broadcast_in_dim3A_139, %select_n3A_126 : vector<128x16xi1>, vector<128x16xi32>
    %eq3A_141 = vector.broadcast %broadcast_in_dim3A_134 : vector<128x1xi32> to vector<128x8192xi32>
    %eq3A_142 = arith.cmpi eq, %select_n3A_131, %eq3A_141 : vector<128x8192xi32>
    %jit3A_143 = arith.constant 8192 : i32
    %broadcast_in_dim3A_144 = vector.broadcast %jit3A_143 : i32 to vector<128x8192xi32>
    %select_n3A_145 = arith.select %eq3A_142, %broadcast_in_dim3A_144, %select_n3A_131 : vector<128x8192xi1>, vector<128x8192xi32>
    %reduce_min3A_146 = arith.constant dense<2147483647> : vector<128xi32>
    %reduce_min3A_147 = vector.multi_reduction <minsi>, %select_n3A_145, %reduce_min3A_146 [1] : vector<128x8192xi32> to vector<128xi32>
    %broadcast_in_dim3A_148 = vector.shape_cast %reduce_min3A_147 : vector<128xi32> to vector<128x1xi32>
    %eq3A_149 = arith.constant 8 : i32
    %eq3A_150 = vector.broadcast %eq3A_149 : i32 to vector<128x16xi32>
    %eq3A_151 = arith.cmpi eq, %iota3A_33, %eq3A_150 : vector<128x16xi32>
    %broadcast_in_dim3A_152 = vector.shape_cast %broadcast_in_dim3A_148 : vector<128x1xi32> to vector<128x1xi32>
    %broadcast_in_dim3A_153 = vector.broadcast %broadcast_in_dim3A_152 : vector<128x1xi32> to vector<128x16xi32>
    %select_n3A_154 = arith.select %eq3A_151, %broadcast_in_dim3A_153, %select_n3A_140 : vector<128x16xi1>, vector<128x16xi32>
    %eq3A_155 = vector.broadcast %broadcast_in_dim3A_148 : vector<128x1xi32> to vector<128x8192xi32>
    %eq3A_156 = arith.cmpi eq, %select_n3A_145, %eq3A_155 : vector<128x8192xi32>
    %jit3A_157 = arith.constant 8192 : i32
    %broadcast_in_dim3A_158 = vector.broadcast %jit3A_157 : i32 to vector<128x8192xi32>
    %select_n3A_159 = arith.select %eq3A_156, %broadcast_in_dim3A_158, %select_n3A_145 : vector<128x8192xi1>, vector<128x8192xi32>
    %reduce_min3A_160 = arith.constant dense<2147483647> : vector<128xi32>
    %reduce_min3A_161 = vector.multi_reduction <minsi>, %select_n3A_159, %reduce_min3A_160 [1] : vector<128x8192xi32> to vector<128xi32>
    %broadcast_in_dim3A_162 = vector.shape_cast %reduce_min3A_161 : vector<128xi32> to vector<128x1xi32>
    %eq3A_163 = arith.constant 9 : i32
    %eq3A_164 = vector.broadcast %eq3A_163 : i32 to vector<128x16xi32>
    %eq3A_165 = arith.cmpi eq, %iota3A_33, %eq3A_164 : vector<128x16xi32>
    %broadcast_in_dim3A_166 = vector.shape_cast %broadcast_in_dim3A_162 : vector<128x1xi32> to vector<128x1xi32>
    %broadcast_in_dim3A_167 = vector.broadcast %broadcast_in_dim3A_166 : vector<128x1xi32> to vector<128x16xi32>
    %select_n3A_168 = arith.select %eq3A_165, %broadcast_in_dim3A_167, %select_n3A_154 : vector<128x16xi1>, vector<128x16xi32>
    %eq3A_169 = vector.broadcast %broadcast_in_dim3A_162 : vector<128x1xi32> to vector<128x8192xi32>
    %eq3A_170 = arith.cmpi eq, %select_n3A_159, %eq3A_169 : vector<128x8192xi32>
    %jit3A_171 = arith.constant 8192 : i32
    %broadcast_in_dim3A_172 = vector.broadcast %jit3A_171 : i32 to vector<128x8192xi32>
    %select_n3A_173 = arith.select %eq3A_170, %broadcast_in_dim3A_172, %select_n3A_159 : vector<128x8192xi1>, vector<128x8192xi32>
    %reduce_min3A_174 = arith.constant dense<2147483647> : vector<128xi32>
    %reduce_min3A_175 = vector.multi_reduction <minsi>, %select_n3A_173, %reduce_min3A_174 [1] : vector<128x8192xi32> to vector<128xi32>
    %broadcast_in_dim3A_176 = vector.shape_cast %reduce_min3A_175 : vector<128xi32> to vector<128x1xi32>
    %eq3A_177 = arith.constant 10 : i32
    %eq3A_178 = vector.broadcast %eq3A_177 : i32 to vector<128x16xi32>
    %eq3A_179 = arith.cmpi eq, %iota3A_33, %eq3A_178 : vector<128x16xi32>
    %broadcast_in_dim3A_180 = vector.shape_cast %broadcast_in_dim3A_176 : vector<128x1xi32> to vector<128x1xi32>
    %broadcast_in_dim3A_181 = vector.broadcast %broadcast_in_dim3A_180 : vector<128x1xi32> to vector<128x16xi32>
    %select_n3A_182 = arith.select %eq3A_179, %broadcast_in_dim3A_181, %select_n3A_168 : vector<128x16xi1>, vector<128x16xi32>
    %eq3A_183 = vector.broadcast %broadcast_in_dim3A_176 : vector<128x1xi32> to vector<128x8192xi32>
    %eq3A_184 = arith.cmpi eq, %select_n3A_173, %eq3A_183 : vector<128x8192xi32>
    %jit3A_185 = arith.constant 8192 : i32
    %broadcast_in_dim3A_186 = vector.broadcast %jit3A_185 : i32 to vector<128x8192xi32>
    %select_n3A_187 = arith.select %eq3A_184, %broadcast_in_dim3A_186, %select_n3A_173 : vector<128x8192xi1>, vector<128x8192xi32>
    %reduce_min3A_188 = arith.constant dense<2147483647> : vector<128xi32>
    %reduce_min3A_189 = vector.multi_reduction <minsi>, %select_n3A_187, %reduce_min3A_188 [1] : vector<128x8192xi32> to vector<128xi32>
    %broadcast_in_dim3A_190 = vector.shape_cast %reduce_min3A_189 : vector<128xi32> to vector<128x1xi32>
    %eq3A_191 = arith.constant 11 : i32
    %eq3A_192 = vector.broadcast %eq3A_191 : i32 to vector<128x16xi32>
    %eq3A_193 = arith.cmpi eq, %iota3A_33, %eq3A_192 : vector<128x16xi32>
    %broadcast_in_dim3A_194 = vector.shape_cast %broadcast_in_dim3A_190 : vector<128x1xi32> to vector<128x1xi32>
    %broadcast_in_dim3A_195 = vector.broadcast %broadcast_in_dim3A_194 : vector<128x1xi32> to vector<128x16xi32>
    %select_n3A_196 = arith.select %eq3A_193, %broadcast_in_dim3A_195, %select_n3A_182 : vector<128x16xi1>, vector<128x16xi32>
    %eq3A_197 = vector.broadcast %broadcast_in_dim3A_190 : vector<128x1xi32> to vector<128x8192xi32>
    %eq3A_198 = arith.cmpi eq, %select_n3A_187, %eq3A_197 : vector<128x8192xi32>
    %jit3A_199 = arith.constant 8192 : i32
    %broadcast_in_dim3A_200 = vector.broadcast %jit3A_199 : i32 to vector<128x8192xi32>
    %select_n3A_201 = arith.select %eq3A_198, %broadcast_in_dim3A_200, %select_n3A_187 : vector<128x8192xi1>, vector<128x8192xi32>
    %reduce_min3A_202 = arith.constant dense<2147483647> : vector<128xi32>
    %reduce_min3A_203 = vector.multi_reduction <minsi>, %select_n3A_201, %reduce_min3A_202 [1] : vector<128x8192xi32> to vector<128xi32>
    %broadcast_in_dim3A_204 = vector.shape_cast %reduce_min3A_203 : vector<128xi32> to vector<128x1xi32>
    %eq3A_205 = arith.constant 12 : i32
    %eq3A_206 = vector.broadcast %eq3A_205 : i32 to vector<128x16xi32>
    %eq3A_207 = arith.cmpi eq, %iota3A_33, %eq3A_206 : vector<128x16xi32>
    %broadcast_in_dim3A_208 = vector.shape_cast %broadcast_in_dim3A_204 : vector<128x1xi32> to vector<128x1xi32>
    %broadcast_in_dim3A_209 = vector.broadcast %broadcast_in_dim3A_208 : vector<128x1xi32> to vector<128x16xi32>
    %select_n3A_210 = arith.select %eq3A_207, %broadcast_in_dim3A_209, %select_n3A_196 : vector<128x16xi1>, vector<128x16xi32>
    %eq3A_211 = vector.broadcast %broadcast_in_dim3A_204 : vector<128x1xi32> to vector<128x8192xi32>
    %eq3A_212 = arith.cmpi eq, %select_n3A_201, %eq3A_211 : vector<128x8192xi32>
    %jit3A_213 = arith.constant 8192 : i32
    %broadcast_in_dim3A_214 = vector.broadcast %jit3A_213 : i32 to vector<128x8192xi32>
    %select_n3A_215 = arith.select %eq3A_212, %broadcast_in_dim3A_214, %select_n3A_201 : vector<128x8192xi1>, vector<128x8192xi32>
    %reduce_min3A_216 = arith.constant dense<2147483647> : vector<128xi32>
    %reduce_min3A_217 = vector.multi_reduction <minsi>, %select_n3A_215, %reduce_min3A_216 [1] : vector<128x8192xi32> to vector<128xi32>
    %broadcast_in_dim3A_218 = vector.shape_cast %reduce_min3A_217 : vector<128xi32> to vector<128x1xi32>
    %eq3A_219 = arith.constant 13 : i32
    %eq3A_220 = vector.broadcast %eq3A_219 : i32 to vector<128x16xi32>
    %eq3A_221 = arith.cmpi eq, %iota3A_33, %eq3A_220 : vector<128x16xi32>
    %broadcast_in_dim3A_222 = vector.shape_cast %broadcast_in_dim3A_218 : vector<128x1xi32> to vector<128x1xi32>
    %broadcast_in_dim3A_223 = vector.broadcast %broadcast_in_dim3A_222 : vector<128x1xi32> to vector<128x16xi32>
    %select_n3A_224 = arith.select %eq3A_221, %broadcast_in_dim3A_223, %select_n3A_210 : vector<128x16xi1>, vector<128x16xi32>
    %eq3A_225 = vector.broadcast %broadcast_in_dim3A_218 : vector<128x1xi32> to vector<128x8192xi32>
    %eq3A_226 = arith.cmpi eq, %select_n3A_215, %eq3A_225 : vector<128x8192xi32>
    %jit3A_227 = arith.constant 8192 : i32
    %broadcast_in_dim3A_228 = vector.broadcast %jit3A_227 : i32 to vector<128x8192xi32>
    %select_n3A_229 = arith.select %eq3A_226, %broadcast_in_dim3A_228, %select_n3A_215 : vector<128x8192xi1>, vector<128x8192xi32>
    %reduce_min3A_230 = arith.constant dense<2147483647> : vector<128xi32>
    %reduce_min3A_231 = vector.multi_reduction <minsi>, %select_n3A_229, %reduce_min3A_230 [1] : vector<128x8192xi32> to vector<128xi32>
    %broadcast_in_dim3A_232 = vector.shape_cast %reduce_min3A_231 : vector<128xi32> to vector<128x1xi32>
    %eq3A_233 = arith.constant 14 : i32
    %eq3A_234 = vector.broadcast %eq3A_233 : i32 to vector<128x16xi32>
    %eq3A_235 = arith.cmpi eq, %iota3A_33, %eq3A_234 : vector<128x16xi32>
    %broadcast_in_dim3A_236 = vector.shape_cast %broadcast_in_dim3A_232 : vector<128x1xi32> to vector<128x1xi32>
    %broadcast_in_dim3A_237 = vector.broadcast %broadcast_in_dim3A_236 : vector<128x1xi32> to vector<128x16xi32>
    %select_n3A_238 = arith.select %eq3A_235, %broadcast_in_dim3A_237, %select_n3A_224 : vector<128x16xi1>, vector<128x16xi32>
    %eq3A_239 = vector.broadcast %broadcast_in_dim3A_232 : vector<128x1xi32> to vector<128x8192xi32>
    %eq3A_240 = arith.cmpi eq, %select_n3A_229, %eq3A_239 : vector<128x8192xi32>
    %jit3A_241 = arith.constant 8192 : i32
    %broadcast_in_dim3A_242 = vector.broadcast %jit3A_241 : i32 to vector<128x8192xi32>
    %select_n3A_243 = arith.select %eq3A_240, %broadcast_in_dim3A_242, %select_n3A_229 : vector<128x8192xi1>, vector<128x8192xi32>
    %reduce_min3A_244 = arith.constant dense<2147483647> : vector<128xi32>
    %reduce_min3A_245 = vector.multi_reduction <minsi>, %select_n3A_243, %reduce_min3A_244 [1] : vector<128x8192xi32> to vector<128xi32>
    %broadcast_in_dim3A_246 = vector.shape_cast %reduce_min3A_245 : vector<128xi32> to vector<128x1xi32>
    %eq3A_247 = arith.constant 15 : i32
    %eq3A_248 = vector.broadcast %eq3A_247 : i32 to vector<128x16xi32>
    %eq3A_249 = arith.cmpi eq, %iota3A_33, %eq3A_248 : vector<128x16xi32>
    %broadcast_in_dim3A_250 = vector.shape_cast %broadcast_in_dim3A_246 : vector<128x1xi32> to vector<128x1xi32>
    %broadcast_in_dim3A_251 = vector.broadcast %broadcast_in_dim3A_250 : vector<128x1xi32> to vector<128x16xi32>
    %select_n3A_252 = arith.select %eq3A_249, %broadcast_in_dim3A_251, %select_n3A_238 : vector<128x16xi1>, vector<128x16xi32>
    %slice3A_253 = vector.extract_strided_slice %select_n3A_252 {offsets = [0, 0], sizes = [128, 1], strides = [1, 1]} : vector<128x16xi32> to vector<128x1xi32>
    %ge3A = arith.constant 8192 : i32
    %ge3A_254 = vector.broadcast %ge3A : i32 to vector<128x1xi32>
    %ge3A_255 = arith.cmpi sge, %slice3A_253, %ge3A_254 : vector<128x1xi32>
    %jit3A_256 = arith.constant 0 : i32
    %broadcast_in_dim3A_257 = vector.broadcast %jit3A_256 : i32 to vector<128x1xi32>
    %select_n3A_258 = arith.select %ge3A_255, %broadcast_in_dim3A_257, %slice3A_253 : vector<128x1xi1>, vector<128x1xi32>
    %ge3A_259 = arith.constant 8192 : i32
    %ge3A_260 = vector.broadcast %ge3A_259 : i32 to vector<128x16xi32>
    %ge3A_261 = arith.cmpi sge, %select_n3A_252, %ge3A_260 : vector<128x16xi32>
    %broadcast_in_dim3A_262 = vector.shape_cast %select_n3A_258 : vector<128x1xi32> to vector<128x1xi32>
    %broadcast_in_dim3A_263 = vector.broadcast %broadcast_in_dim3A_262 : vector<128x1xi32> to vector<128x16xi32>
    %select_n3A_264 = arith.select %ge3A_261, %broadcast_in_dim3A_263, %select_n3A_252 : vector<128x16xi1>, vector<128x16xi32>
    %reshape3A_265 = vector.shape_cast %select_n3A_264 : vector<128x16xi32> to vector<1x128x16xi32>
    %swap3A = arith.constant 0 : index
    %swap3A_266 = arith.constant 0 : index
    %swap3A_267 = arith.constant 0 : index
    %swap3A_268 = vector.load %arg4[%swap3A, %swap3A_266, %swap3A_267] : memref<1x128x16xi32, #tpu.memory_space<vmem>>, vector<1x128x16xi32>
    tpu.vector_store %arg4[%swap3A, %swap3A_266, %swap3A_267], %reshape3A_265 {strides = array<i32>} : memref<1x128x16xi32, #tpu.memory_space<vmem>>, vector<1x128x16xi32>,
    return
  }
  func.func @transform_0(%arg0: i32, %arg1: i32) -> (i32, i32, i32) {
    %c0_i32 = arith.constant 0 : i32
    %c0_i32_0 = arith.constant 0 : i32
    return %arg0, %arg1, %c0_i32 : i32, i32, i32
  }
  func.func @transform_1(%arg0: i32, %arg1: i32) -> (i32, i32, i32) {
    %c0_i32 = arith.constant 0 : i32
    %c0_i32_0 = arith.constant 0 : i32
    %c0_i32_1 = arith.constant 0 : i32
    return %arg0, %c0_i32, %c0_i32_0 : i32, i32, i32
  }
  func.func @transform_2(%arg0: i32, %arg1: i32) -> (i32, i32, i32) {
    %c0_i32 = arith.constant 0 : i32
    %c0_i32_0 = arith.constant 0 : i32
    return %arg0, %arg1, %c0_i32 : i32, i32, i32
  }
}

module attributes {stable_mosaic.version = 14 : i64} {
  func.func @_conv0_body(%arg0: i32, %arg1: memref<8192x16xf32, #tpu.memory_space<vmem>>, %arg2: memref<512x16xf32, #tpu.memory_space<vmem>>, %arg3: memref<16x32xf32, #tpu.memory_space<vmem>>, %arg4: memref<1x32xf32, #tpu.memory_space<vmem>>, %arg5: memref<8192x32xf32, #tpu.memory_space<vmem>>, %arg6: memref<2x32xf32, #tpu.memory_space<vmem>>, %arg7: memref<2x32xf32, #tpu.memory_space<vmem>>) attributes {dimension_semantics = [#tpu.dimension_semantics<arbitrary>], iteration_bounds = array<i64: 8>, scalar_prefetch = 0 : i64, scratch_operands = 1 : i64, tpu.core_type = #tpu.core_type<tc>, window_params = [{transform_indices = @transform_0, window_bounds = array<i64: 8192, 16>}, {transform_indices = @transform_1, window_bounds = array<i64: 512, 16>}, {pipeline_mode = #tpu.pipeline_mode<synchronous>, transform_indices = @transform_2, window_bounds = array<i64: 16, 32>}, {pipeline_mode = #tpu.pipeline_mode<synchronous>, transform_indices = @transform_3, window_bounds = array<i64: 1, 32>}, {transform_indices = @transform_4, window_bounds = array<i64: 8192, 32>}, {pipeline_mode = #tpu.pipeline_mode<synchronous>, transform_indices = @transform_5, window_bounds = array<i64: 2, 32>}]} {
    %get3A = arith.constant 0 : index
    %get3A_0 = arith.constant 0 : index
    %get3A_1 = vector.load %arg1[%get3A, %get3A_0] : memref<8192x16xf32, #tpu.memory_space<vmem>>, vector<8192x16xf32>
    %get3A_2 = arith.constant 0 : index
    %get3A_3 = arith.constant 0 : index
    %get3A_4 = vector.load %arg2[%get3A_2, %get3A_3] : memref<512x16xf32, #tpu.memory_space<vmem>>, vector<512x16xf32>
    %reshape3A = vector.shape_cast %get3A_1 : vector<8192x16xf32> to vector<512x16x16xf32>
    %broadcast_in_dim3A = vector.shape_cast %get3A_4 : vector<512x16xf32> to vector<512x1x16xf32>
    %sub3A = vector.broadcast %broadcast_in_dim3A : vector<512x1x16xf32> to vector<512x16x16xf32>
    %sub3A_5 = arith.subf %reshape3A, %sub3A : vector<512x16x16xf32>
    %reshape3A_6 = vector.shape_cast %sub3A_5 : vector<512x16x16xf32> to vector<8192x16xf32>
    %get3A_7 = arith.constant 0 : index
    %get3A_8 = arith.constant 0 : index
    %get3A_9 = vector.load %arg3[%get3A_7, %get3A_8] : memref<16x32xf32, #tpu.memory_space<vmem>>, vector<16x32xf32>
    %dot_general3A = arith.constant dense<0.000000e+00> : vector<8192x32xf32>
    %dot_general3A_10 = tpu.matmul %reshape3A_6, %get3A_9, %dot_general3A {dimension_numbers = #tpu.dot_dimension_numbers<[1], [0], [0], [1], [0, 0, 1, 1], [], []>, transpose_lhs_hint = false} : vector<8192x16xf32>, vector<16x32xf32>, vector<8192x32xf32> -> vector<8192x32xf32>
    %get3A_11 = arith.constant 0 : index
    %get3A_12 = arith.constant 0 : index
    %get3A_13 = vector.load %arg4[%get3A_11, %get3A_12] : memref<1x32xf32, #tpu.memory_space<vmem>>, vector<1x32xf32>
    %add3A = vector.broadcast %get3A_13 : vector<1x32xf32> to vector<8192x32xf32>
    %add3A_14 = arith.addf %dot_general3A_10, %add3A : vector<8192x32xf32>
    %swap3A = arith.constant 0 : index
    %swap3A_15 = arith.constant 0 : index
    %swap3A_16 = vector.load %arg5[%swap3A, %swap3A_15] : memref<8192x32xf32, #tpu.memory_space<vmem>>, vector<8192x32xf32>
    tpu.vector_store %arg5[%swap3A, %swap3A_15], %add3A_14 {strides = array<i32>} : memref<8192x32xf32, #tpu.memory_space<vmem>>, vector<8192x32xf32>,
    %reduce_sum3A = arith.constant dense<0.000000e+00> : vector<32xf32>
    %reduce_sum3A_17 = vector.multi_reduction <add>, %add3A_14, %reduce_sum3A [0] : vector<8192x32xf32> to vector<32xf32>
    %broadcast_in_dim3A_18 = vector.shape_cast %reduce_sum3A_17 : vector<32xf32> to vector<1x32xf32>
    %mul3A = arith.mulf %add3A_14, %add3A_14 : vector<8192x32xf32>
    %reduce_sum3A_19 = arith.constant dense<0.000000e+00> : vector<32xf32>
    %reduce_sum3A_20 = vector.multi_reduction <add>, %mul3A, %reduce_sum3A_19 [0] : vector<8192x32xf32> to vector<32xf32>
    %broadcast_in_dim3A_21 = vector.shape_cast %reduce_sum3A_20 : vector<32xf32> to vector<1x32xf32>
    %concatenate3A = tpu.concatenate %broadcast_in_dim3A_18, %broadcast_in_dim3A_21 in 0 : vector<1x32xf32>, vector<1x32xf32> -> vector<2x32xf32>
    %eq3A = arith.constant 0 : i32
    %eq3A_22 = arith.cmpi eq, %arg0, %eq3A : i32
    %convert_element_type3A = arith.extui %eq3A_22 : i1 to i32
    %cond3A = arith.constant 0 : i32
    %cond3A_23 = arith.cmpi ne, %convert_element_type3A, %cond3A : i32
    scf.if %cond3A_23 {
      %swap3A_33 = arith.constant 0 : index
      %swap3A_34 = arith.constant 0 : index
      %swap3A_35 = vector.load %arg7[%swap3A_33, %swap3A_34] : memref<2x32xf32, #tpu.memory_space<vmem>>, vector<2x32xf32>
      tpu.vector_store %arg7[%swap3A_33, %swap3A_34], %concatenate3A {strides = array<i32>} : memref<2x32xf32, #tpu.memory_space<vmem>>, vector<2x32xf32>,
    } else {
    }
    %gt3A = arith.constant 0 : i32
    %gt3A_24 = arith.cmpi sgt, %arg0, %gt3A : i32
    %convert_element_type3A_25 = arith.extui %gt3A_24 : i1 to i32
    %cond3A_26 = arith.constant 0 : i32
    %cond3A_27 = arith.cmpi ne, %convert_element_type3A_25, %cond3A_26 : i32
    scf.if %cond3A_27 {
      %get3A_33 = arith.constant 0 : index
      %get3A_34 = arith.constant 0 : index
      %get3A_35 = vector.load %arg7[%get3A_33, %get3A_34] : memref<2x32xf32, #tpu.memory_space<vmem>>, vector<2x32xf32>
      %add3A_36 = arith.addf %get3A_35, %concatenate3A : vector<2x32xf32>
      %swap3A_37 = arith.constant 0 : index
      %swap3A_38 = arith.constant 0 : index
      %swap3A_39 = vector.load %arg7[%swap3A_37, %swap3A_38] : memref<2x32xf32, #tpu.memory_space<vmem>>, vector<2x32xf32>
      tpu.vector_store %arg7[%swap3A_37, %swap3A_38], %add3A_36 {strides = array<i32>} : memref<2x32xf32, #tpu.memory_space<vmem>>, vector<2x32xf32>,
    } else {
    }
    %eq3A_28 = arith.constant 7 : i32
    %eq3A_29 = arith.cmpi eq, %arg0, %eq3A_28 : i32
    %convert_element_type3A_30 = arith.extui %eq3A_29 : i1 to i32
    %cond3A_31 = arith.constant 0 : i32
    %cond3A_32 = arith.cmpi ne, %convert_element_type3A_30, %cond3A_31 : i32
    scf.if %cond3A_32 {
      %get3A_33 = arith.constant 0 : index
      %get3A_34 = arith.constant 0 : index
      %get3A_35 = vector.load %arg7[%get3A_33, %get3A_34] : memref<2x32xf32, #tpu.memory_space<vmem>>, vector<2x32xf32>
      %swap3A_36 = arith.constant 0 : index
      %swap3A_37 = arith.constant 0 : index
      %swap3A_38 = vector.load %arg6[%swap3A_36, %swap3A_37] : memref<2x32xf32, #tpu.memory_space<vmem>>, vector<2x32xf32>
      tpu.vector_store %arg6[%swap3A_36, %swap3A_37], %get3A_35 {strides = array<i32>} : memref<2x32xf32, #tpu.memory_space<vmem>>, vector<2x32xf32>,
    } else {
    }
    return
  }
  func.func @transform_0(%arg0: i32) -> (i32, i32) {
    %c0_i32 = arith.constant 0 : i32
    %c0_i32_0 = arith.constant 0 : i32
    return %arg0, %c0_i32 : i32, i32
  }
  func.func @transform_1(%arg0: i32) -> (i32, i32) {
    %c0_i32 = arith.constant 0 : i32
    %c0_i32_0 = arith.constant 0 : i32
    return %arg0, %c0_i32 : i32, i32
  }
  func.func @transform_2(%arg0: i32) -> (i32, i32) {
    %c0_i32 = arith.constant 0 : i32
    %c0_i32_0 = arith.constant 0 : i32
    %c0_i32_1 = arith.constant 0 : i32
    return %c0_i32, %c0_i32_0 : i32, i32
  }
  func.func @transform_3(%arg0: i32) -> (i32, i32) {
    %c0_i32 = arith.constant 0 : i32
    %c0_i32_0 = arith.constant 0 : i32
    %c0_i32_1 = arith.constant 0 : i32
    return %c0_i32, %c0_i32_0 : i32, i32
  }
  func.func @transform_4(%arg0: i32) -> (i32, i32) {
    %c0_i32 = arith.constant 0 : i32
    %c0_i32_0 = arith.constant 0 : i32
    return %arg0, %c0_i32 : i32, i32
  }
  func.func @transform_5(%arg0: i32) -> (i32, i32) {
    %c0_i32 = arith.constant 0 : i32
    %c0_i32_0 = arith.constant 0 : i32
    %c0_i32_1 = arith.constant 0 : i32
    return %c0_i32, %c0_i32_0 : i32, i32
  }
}

module attributes {stable_mosaic.version = 14 : i64} {
  func.func @_normconv_body(%arg0: i32, %arg1: memref<8192x32xf32, #tpu.memory_space<vmem>>, %arg2: memref<2x32xf32, #tpu.memory_space<vmem>>, %arg3: memref<1x32xf32, #tpu.memory_space<vmem>>, %arg4: memref<1x32xf32, #tpu.memory_space<vmem>>, %arg5: memref<32x32xf32, #tpu.memory_space<vmem>>, %arg6: memref<1x32xf32, #tpu.memory_space<vmem>>, %arg7: memref<8192x32xf32, #tpu.memory_space<vmem>>, %arg8: memref<2x32xf32, #tpu.memory_space<vmem>>, %arg9: memref<2x32xf32, #tpu.memory_space<vmem>>) attributes {dimension_semantics = [#tpu.dimension_semantics<arbitrary>], iteration_bounds = array<i64: 8>, scalar_prefetch = 0 : i64, scratch_operands = 1 : i64, tpu.core_type = #tpu.core_type<tc>, window_params = [{transform_indices = @transform_0, window_bounds = array<i64: 8192, 32>}, {pipeline_mode = #tpu.pipeline_mode<synchronous>, transform_indices = @transform_1, window_bounds = array<i64: 2, 32>}, {pipeline_mode = #tpu.pipeline_mode<synchronous>, transform_indices = @transform_2, window_bounds = array<i64: 1, 32>}, {pipeline_mode = #tpu.pipeline_mode<synchronous>, transform_indices = @transform_3, window_bounds = array<i64: 1, 32>}, {pipeline_mode = #tpu.pipeline_mode<synchronous>, transform_indices = @transform_4, window_bounds = array<i64: 32, 32>}, {pipeline_mode = #tpu.pipeline_mode<synchronous>, transform_indices = @transform_5, window_bounds = array<i64: 1, 32>}, {transform_indices = @transform_6, window_bounds = array<i64: 8192, 32>}, {pipeline_mode = #tpu.pipeline_mode<synchronous>, transform_indices = @transform_7, window_bounds = array<i64: 2, 32>}]} {
    %get3A = arith.constant 0 : index
    %get3A_0 = arith.constant 0 : index
    %get3A_1 = vector.load %arg1[%get3A, %get3A_0] : memref<8192x32xf32, #tpu.memory_space<vmem>>, vector<8192x32xf32>
    %get3A_2 = arith.constant 0 : index
    %get3A_3 = arith.constant 0 : index
    %get3A_4 = vector.load %arg2[%get3A_2, %get3A_3] : memref<2x32xf32, #tpu.memory_space<vmem>>, vector<1x32xf32>
    %mul3A = arith.constant 1.52587891E-5 : f32
    %mul3A_5 = vector.broadcast %mul3A : f32 to vector<1x32xf32>
    %mul3A_6 = arith.mulf %get3A_4, %mul3A_5 : vector<1x32xf32>
    %get3A_7 = arith.constant 1 : index
    %get3A_8 = arith.constant 0 : index
    %get3A_9 = vector.load %arg2[%get3A_7, %get3A_8] : memref<2x32xf32, #tpu.memory_space<vmem>>, vector<1x32xf32>
    %mul3A_10 = arith.constant 1.52587891E-5 : f32
    %mul3A_11 = vector.broadcast %mul3A_10 : f32 to vector<1x32xf32>
    %mul3A_12 = arith.mulf %get3A_9, %mul3A_11 : vector<1x32xf32>
    %mul3A_13 = arith.mulf %mul3A_6, %mul3A_6 : vector<1x32xf32>
    %sub3A = arith.subf %mul3A_12, %mul3A_13 : vector<1x32xf32>
    %sub3A_14 = vector.broadcast %mul3A_6 : vector<1x32xf32> to vector<8192x32xf32>
    %sub3A_15 = arith.subf %get3A_1, %sub3A_14 : vector<8192x32xf32>
    %add3A = arith.constant 1.000000e-03 : f32
    %add3A_16 = vector.broadcast %add3A : f32 to vector<1x32xf32>
    %add3A_17 = arith.addf %sub3A, %add3A_16 : vector<1x32xf32>
    %sqrt3A = math.sqrt %add3A_17 : vector<1x32xf32>
    %div3A = vector.broadcast %sqrt3A : vector<1x32xf32> to vector<8192x32xf32>
    %div3A_18 = arith.divf %sub3A_15, %div3A : vector<8192x32xf32>
    %get3A_19 = arith.constant 0 : index
    %get3A_20 = arith.constant 0 : index
    %get3A_21 = vector.load %arg3[%get3A_19, %get3A_20] : memref<1x32xf32, #tpu.memory_space<vmem>>, vector<1x32xf32>
    %mul3A_22 = vector.broadcast %get3A_21 : vector<1x32xf32> to vector<8192x32xf32>
    %mul3A_23 = arith.mulf %div3A_18, %mul3A_22 : vector<8192x32xf32>
    %get3A_24 = arith.constant 0 : index
    %get3A_25 = arith.constant 0 : index
    %get3A_26 = vector.load %arg4[%get3A_24, %get3A_25] : memref<1x32xf32, #tpu.memory_space<vmem>>, vector<1x32xf32>
    %add3A_27 = vector.broadcast %get3A_26 : vector<1x32xf32> to vector<8192x32xf32>
    %add3A_28 = arith.addf %mul3A_23, %add3A_27 : vector<8192x32xf32>
    %max3A = arith.constant 0.000000e+00 : f32
    %max3A_29 = vector.broadcast %max3A : f32 to vector<8192x32xf32>
    %max3A_30 = arith.maximumf %add3A_28, %max3A_29 : vector<8192x32xf32>
    %get3A_31 = arith.constant 0 : index
    %get3A_32 = arith.constant 0 : index
    %get3A_33 = vector.load %arg5[%get3A_31, %get3A_32] : memref<32x32xf32, #tpu.memory_space<vmem>>, vector<32x32xf32>
    %dot_general3A = arith.constant dense<0.000000e+00> : vector<8192x32xf32>
    %dot_general3A_34 = tpu.matmul %max3A_30, %get3A_33, %dot_general3A {dimension_numbers = #tpu.dot_dimension_numbers<[1], [0], [0], [1], [0, 0, 1, 1], [], []>, transpose_lhs_hint = false} : vector<8192x32xf32>, vector<32x32xf32>, vector<8192x32xf32> -> vector<8192x32xf32>
    %get3A_35 = arith.constant 0 : index
    %get3A_36 = arith.constant 0 : index
    %get3A_37 = vector.load %arg6[%get3A_35, %get3A_36] : memref<1x32xf32, #tpu.memory_space<vmem>>, vector<1x32xf32>
    %add3A_38 = vector.broadcast %get3A_37 : vector<1x32xf32> to vector<8192x32xf32>
    %add3A_39 = arith.addf %dot_general3A_34, %add3A_38 : vector<8192x32xf32>
    %swap3A = arith.constant 0 : index
    %swap3A_40 = arith.constant 0 : index
    %swap3A_41 = vector.load %arg7[%swap3A, %swap3A_40] : memref<8192x32xf32, #tpu.memory_space<vmem>>, vector<8192x32xf32>
    tpu.vector_store %arg7[%swap3A, %swap3A_40], %add3A_39 {strides = array<i32>} : memref<8192x32xf32, #tpu.memory_space<vmem>>, vector<8192x32xf32>,
    %reduce_sum3A = arith.constant dense<0.000000e+00> : vector<32xf32>
    %reduce_sum3A_42 = vector.multi_reduction <add>, %add3A_39, %reduce_sum3A [0] : vector<8192x32xf32> to vector<32xf32>
    %broadcast_in_dim3A = vector.shape_cast %reduce_sum3A_42 : vector<32xf32> to vector<1x32xf32>
    %mul3A_43 = arith.mulf %add3A_39, %add3A_39 : vector<8192x32xf32>
    %reduce_sum3A_44 = arith.constant dense<0.000000e+00> : vector<32xf32>
    %reduce_sum3A_45 = vector.multi_reduction <add>, %mul3A_43, %reduce_sum3A_44 [0] : vector<8192x32xf32> to vector<32xf32>
    %broadcast_in_dim3A_46 = vector.shape_cast %reduce_sum3A_45 : vector<32xf32> to vector<1x32xf32>
    %concatenate3A = tpu.concatenate %broadcast_in_dim3A, %broadcast_in_dim3A_46 in 0 : vector<1x32xf32>, vector<1x32xf32> -> vector<2x32xf32>
    %eq3A = arith.constant 0 : i32
    %eq3A_47 = arith.cmpi eq, %arg0, %eq3A : i32
    %convert_element_type3A = arith.extui %eq3A_47 : i1 to i32
    %cond3A = arith.constant 0 : i32
    %cond3A_48 = arith.cmpi ne, %convert_element_type3A, %cond3A : i32
    scf.if %cond3A_48 {
      %swap3A_58 = arith.constant 0 : index
      %swap3A_59 = arith.constant 0 : index
      %swap3A_60 = vector.load %arg9[%swap3A_58, %swap3A_59] : memref<2x32xf32, #tpu.memory_space<vmem>>, vector<2x32xf32>
      tpu.vector_store %arg9[%swap3A_58, %swap3A_59], %concatenate3A {strides = array<i32>} : memref<2x32xf32, #tpu.memory_space<vmem>>, vector<2x32xf32>,
    } else {
    }
    %gt3A = arith.constant 0 : i32
    %gt3A_49 = arith.cmpi sgt, %arg0, %gt3A : i32
    %convert_element_type3A_50 = arith.extui %gt3A_49 : i1 to i32
    %cond3A_51 = arith.constant 0 : i32
    %cond3A_52 = arith.cmpi ne, %convert_element_type3A_50, %cond3A_51 : i32
    scf.if %cond3A_52 {
      %get3A_58 = arith.constant 0 : index
      %get3A_59 = arith.constant 0 : index
      %get3A_60 = vector.load %arg9[%get3A_58, %get3A_59] : memref<2x32xf32, #tpu.memory_space<vmem>>, vector<2x32xf32>
      %add3A_61 = arith.addf %get3A_60, %concatenate3A : vector<2x32xf32>
      %swap3A_62 = arith.constant 0 : index
      %swap3A_63 = arith.constant 0 : index
      %swap3A_64 = vector.load %arg9[%swap3A_62, %swap3A_63] : memref<2x32xf32, #tpu.memory_space<vmem>>, vector<2x32xf32>
      tpu.vector_store %arg9[%swap3A_62, %swap3A_63], %add3A_61 {strides = array<i32>} : memref<2x32xf32, #tpu.memory_space<vmem>>, vector<2x32xf32>,
    } else {
    }
    %eq3A_53 = arith.constant 7 : i32
    %eq3A_54 = arith.cmpi eq, %arg0, %eq3A_53 : i32
    %convert_element_type3A_55 = arith.extui %eq3A_54 : i1 to i32
    %cond3A_56 = arith.constant 0 : i32
    %cond3A_57 = arith.cmpi ne, %convert_element_type3A_55, %cond3A_56 : i32
    scf.if %cond3A_57 {
      %get3A_58 = arith.constant 0 : index
      %get3A_59 = arith.constant 0 : index
      %get3A_60 = vector.load %arg9[%get3A_58, %get3A_59] : memref<2x32xf32, #tpu.memory_space<vmem>>, vector<2x32xf32>
      %swap3A_61 = arith.constant 0 : index
      %swap3A_62 = arith.constant 0 : index
      %swap3A_63 = vector.load %arg8[%swap3A_61, %swap3A_62] : memref<2x32xf32, #tpu.memory_space<vmem>>, vector<2x32xf32>
      tpu.vector_store %arg8[%swap3A_61, %swap3A_62], %get3A_60 {strides = array<i32>} : memref<2x32xf32, #tpu.memory_space<vmem>>, vector<2x32xf32>,
    } else {
    }
    return
  }
  func.func @transform_0(%arg0: i32) -> (i32, i32) {
    %c0_i32 = arith.constant 0 : i32
    %c0_i32_0 = arith.constant 0 : i32
    return %arg0, %c0_i32 : i32, i32
  }
  func.func @transform_1(%arg0: i32) -> (i32, i32) {
    %c0_i32 = arith.constant 0 : i32
    %c0_i32_0 = arith.constant 0 : i32
    %c0_i32_1 = arith.constant 0 : i32
    return %c0_i32, %c0_i32_0 : i32, i32
  }
  func.func @transform_2(%arg0: i32) -> (i32, i32) {
    %c0_i32 = arith.constant 0 : i32
    %c0_i32_0 = arith.constant 0 : i32
    %c0_i32_1 = arith.constant 0 : i32
    return %c0_i32, %c0_i32_0 : i32, i32
  }
  func.func @transform_3(%arg0: i32) -> (i32, i32) {
    %c0_i32 = arith.constant 0 : i32
    %c0_i32_0 = arith.constant 0 : i32
    %c0_i32_1 = arith.constant 0 : i32
    return %c0_i32, %c0_i32_0 : i32, i32
  }
  func.func @transform_4(%arg0: i32) -> (i32, i32) {
    %c0_i32 = arith.constant 0 : i32
    %c0_i32_0 = arith.constant 0 : i32
    %c0_i32_1 = arith.constant 0 : i32
    return %c0_i32, %c0_i32_0 : i32, i32
  }
  func.func @transform_5(%arg0: i32) -> (i32, i32) {
    %c0_i32 = arith.constant 0 : i32
    %c0_i32_0 = arith.constant 0 : i32
    %c0_i32_1 = arith.constant 0 : i32
    return %c0_i32, %c0_i32_0 : i32, i32
  }
  func.func @transform_6(%arg0: i32) -> (i32, i32) {
    %c0_i32 = arith.constant 0 : i32
    %c0_i32_0 = arith.constant 0 : i32
    return %arg0, %c0_i32 : i32, i32
  }
  func.func @transform_7(%arg0: i32) -> (i32, i32) {
    %c0_i32 = arith.constant 0 : i32
    %c0_i32_0 = arith.constant 0 : i32
    %c0_i32_1 = arith.constant 0 : i32
    return %c0_i32, %c0_i32_0 : i32, i32
  }
}

module attributes {stable_mosaic.version = 14 : i64} {
  func.func @_normconv_body(%arg0: i32, %arg1: memref<8192x32xf32, #tpu.memory_space<vmem>>, %arg2: memref<2x32xf32, #tpu.memory_space<vmem>>, %arg3: memref<1x32xf32, #tpu.memory_space<vmem>>, %arg4: memref<1x32xf32, #tpu.memory_space<vmem>>, %arg5: memref<32x64xf32, #tpu.memory_space<vmem>>, %arg6: memref<1x64xf32, #tpu.memory_space<vmem>>, %arg7: memref<8192x64xf32, #tpu.memory_space<vmem>>, %arg8: memref<2x64xf32, #tpu.memory_space<vmem>>, %arg9: memref<2x64xf32, #tpu.memory_space<vmem>>) attributes {dimension_semantics = [#tpu.dimension_semantics<arbitrary>], iteration_bounds = array<i64: 8>, scalar_prefetch = 0 : i64, scratch_operands = 1 : i64, tpu.core_type = #tpu.core_type<tc>, window_params = [{transform_indices = @transform_0, window_bounds = array<i64: 8192, 32>}, {pipeline_mode = #tpu.pipeline_mode<synchronous>, transform_indices = @transform_1, window_bounds = array<i64: 2, 32>}, {pipeline_mode = #tpu.pipeline_mode<synchronous>, transform_indices = @transform_2, window_bounds = array<i64: 1, 32>}, {pipeline_mode = #tpu.pipeline_mode<synchronous>, transform_indices = @transform_3, window_bounds = array<i64: 1, 32>}, {pipeline_mode = #tpu.pipeline_mode<synchronous>, transform_indices = @transform_4, window_bounds = array<i64: 32, 64>}, {pipeline_mode = #tpu.pipeline_mode<synchronous>, transform_indices = @transform_5, window_bounds = array<i64: 1, 64>}, {transform_indices = @transform_6, window_bounds = array<i64: 8192, 64>}, {pipeline_mode = #tpu.pipeline_mode<synchronous>, transform_indices = @transform_7, window_bounds = array<i64: 2, 64>}]} {
    %get3A = arith.constant 0 : index
    %get3A_0 = arith.constant 0 : index
    %get3A_1 = vector.load %arg1[%get3A, %get3A_0] : memref<8192x32xf32, #tpu.memory_space<vmem>>, vector<8192x32xf32>
    %get3A_2 = arith.constant 0 : index
    %get3A_3 = arith.constant 0 : index
    %get3A_4 = vector.load %arg2[%get3A_2, %get3A_3] : memref<2x32xf32, #tpu.memory_space<vmem>>, vector<1x32xf32>
    %mul3A = arith.constant 1.52587891E-5 : f32
    %mul3A_5 = vector.broadcast %mul3A : f32 to vector<1x32xf32>
    %mul3A_6 = arith.mulf %get3A_4, %mul3A_5 : vector<1x32xf32>
    %get3A_7 = arith.constant 1 : index
    %get3A_8 = arith.constant 0 : index
    %get3A_9 = vector.load %arg2[%get3A_7, %get3A_8] : memref<2x32xf32, #tpu.memory_space<vmem>>, vector<1x32xf32>
    %mul3A_10 = arith.constant 1.52587891E-5 : f32
    %mul3A_11 = vector.broadcast %mul3A_10 : f32 to vector<1x32xf32>
    %mul3A_12 = arith.mulf %get3A_9, %mul3A_11 : vector<1x32xf32>
    %mul3A_13 = arith.mulf %mul3A_6, %mul3A_6 : vector<1x32xf32>
    %sub3A = arith.subf %mul3A_12, %mul3A_13 : vector<1x32xf32>
    %sub3A_14 = vector.broadcast %mul3A_6 : vector<1x32xf32> to vector<8192x32xf32>
    %sub3A_15 = arith.subf %get3A_1, %sub3A_14 : vector<8192x32xf32>
    %add3A = arith.constant 1.000000e-03 : f32
    %add3A_16 = vector.broadcast %add3A : f32 to vector<1x32xf32>
    %add3A_17 = arith.addf %sub3A, %add3A_16 : vector<1x32xf32>
    %sqrt3A = math.sqrt %add3A_17 : vector<1x32xf32>
    %div3A = vector.broadcast %sqrt3A : vector<1x32xf32> to vector<8192x32xf32>
    %div3A_18 = arith.divf %sub3A_15, %div3A : vector<8192x32xf32>
    %get3A_19 = arith.constant 0 : index
    %get3A_20 = arith.constant 0 : index
    %get3A_21 = vector.load %arg3[%get3A_19, %get3A_20] : memref<1x32xf32, #tpu.memory_space<vmem>>, vector<1x32xf32>
    %mul3A_22 = vector.broadcast %get3A_21 : vector<1x32xf32> to vector<8192x32xf32>
    %mul3A_23 = arith.mulf %div3A_18, %mul3A_22 : vector<8192x32xf32>
    %get3A_24 = arith.constant 0 : index
    %get3A_25 = arith.constant 0 : index
    %get3A_26 = vector.load %arg4[%get3A_24, %get3A_25] : memref<1x32xf32, #tpu.memory_space<vmem>>, vector<1x32xf32>
    %add3A_27 = vector.broadcast %get3A_26 : vector<1x32xf32> to vector<8192x32xf32>
    %add3A_28 = arith.addf %mul3A_23, %add3A_27 : vector<8192x32xf32>
    %max3A = arith.constant 0.000000e+00 : f32
    %max3A_29 = vector.broadcast %max3A : f32 to vector<8192x32xf32>
    %max3A_30 = arith.maximumf %add3A_28, %max3A_29 : vector<8192x32xf32>
    %get3A_31 = arith.constant 0 : index
    %get3A_32 = arith.constant 0 : index
    %get3A_33 = vector.load %arg5[%get3A_31, %get3A_32] : memref<32x64xf32, #tpu.memory_space<vmem>>, vector<32x64xf32>
    %dot_general3A = arith.constant dense<0.000000e+00> : vector<8192x64xf32>
    %dot_general3A_34 = tpu.matmul %max3A_30, %get3A_33, %dot_general3A {dimension_numbers = #tpu.dot_dimension_numbers<[1], [0], [0], [1], [0, 0, 1, 1], [], []>, transpose_lhs_hint = false} : vector<8192x32xf32>, vector<32x64xf32>, vector<8192x64xf32> -> vector<8192x64xf32>
    %get3A_35 = arith.constant 0 : index
    %get3A_36 = arith.constant 0 : index
    %get3A_37 = vector.load %arg6[%get3A_35, %get3A_36] : memref<1x64xf32, #tpu.memory_space<vmem>>, vector<1x64xf32>
    %add3A_38 = vector.broadcast %get3A_37 : vector<1x64xf32> to vector<8192x64xf32>
    %add3A_39 = arith.addf %dot_general3A_34, %add3A_38 : vector<8192x64xf32>
    %swap3A = arith.constant 0 : index
    %swap3A_40 = arith.constant 0 : index
    %swap3A_41 = vector.load %arg7[%swap3A, %swap3A_40] : memref<8192x64xf32, #tpu.memory_space<vmem>>, vector<8192x64xf32>
    tpu.vector_store %arg7[%swap3A, %swap3A_40], %add3A_39 {strides = array<i32>} : memref<8192x64xf32, #tpu.memory_space<vmem>>, vector<8192x64xf32>,
    %reduce_sum3A = arith.constant dense<0.000000e+00> : vector<64xf32>
    %reduce_sum3A_42 = vector.multi_reduction <add>, %add3A_39, %reduce_sum3A [0] : vector<8192x64xf32> to vector<64xf32>
    %broadcast_in_dim3A = vector.shape_cast %reduce_sum3A_42 : vector<64xf32> to vector<1x64xf32>
    %mul3A_43 = arith.mulf %add3A_39, %add3A_39 : vector<8192x64xf32>
    %reduce_sum3A_44 = arith.constant dense<0.000000e+00> : vector<64xf32>
    %reduce_sum3A_45 = vector.multi_reduction <add>, %mul3A_43, %reduce_sum3A_44 [0] : vector<8192x64xf32> to vector<64xf32>
    %broadcast_in_dim3A_46 = vector.shape_cast %reduce_sum3A_45 : vector<64xf32> to vector<1x64xf32>
    %concatenate3A = tpu.concatenate %broadcast_in_dim3A, %broadcast_in_dim3A_46 in 0 : vector<1x64xf32>, vector<1x64xf32> -> vector<2x64xf32>
    %eq3A = arith.constant 0 : i32
    %eq3A_47 = arith.cmpi eq, %arg0, %eq3A : i32
    %convert_element_type3A = arith.extui %eq3A_47 : i1 to i32
    %cond3A = arith.constant 0 : i32
    %cond3A_48 = arith.cmpi ne, %convert_element_type3A, %cond3A : i32
    scf.if %cond3A_48 {
      %swap3A_58 = arith.constant 0 : index
      %swap3A_59 = arith.constant 0 : index
      %swap3A_60 = vector.load %arg9[%swap3A_58, %swap3A_59] : memref<2x64xf32, #tpu.memory_space<vmem>>, vector<2x64xf32>
      tpu.vector_store %arg9[%swap3A_58, %swap3A_59], %concatenate3A {strides = array<i32>} : memref<2x64xf32, #tpu.memory_space<vmem>>, vector<2x64xf32>,
    } else {
    }
    %gt3A = arith.constant 0 : i32
    %gt3A_49 = arith.cmpi sgt, %arg0, %gt3A : i32
    %convert_element_type3A_50 = arith.extui %gt3A_49 : i1 to i32
    %cond3A_51 = arith.constant 0 : i32
    %cond3A_52 = arith.cmpi ne, %convert_element_type3A_50, %cond3A_51 : i32
    scf.if %cond3A_52 {
      %get3A_58 = arith.constant 0 : index
      %get3A_59 = arith.constant 0 : index
      %get3A_60 = vector.load %arg9[%get3A_58, %get3A_59] : memref<2x64xf32, #tpu.memory_space<vmem>>, vector<2x64xf32>
      %add3A_61 = arith.addf %get3A_60, %concatenate3A : vector<2x64xf32>
      %swap3A_62 = arith.constant 0 : index
      %swap3A_63 = arith.constant 0 : index
      %swap3A_64 = vector.load %arg9[%swap3A_62, %swap3A_63] : memref<2x64xf32, #tpu.memory_space<vmem>>, vector<2x64xf32>
      tpu.vector_store %arg9[%swap3A_62, %swap3A_63], %add3A_61 {strides = array<i32>} : memref<2x64xf32, #tpu.memory_space<vmem>>, vector<2x64xf32>,
    } else {
    }
    %eq3A_53 = arith.constant 7 : i32
    %eq3A_54 = arith.cmpi eq, %arg0, %eq3A_53 : i32
    %convert_element_type3A_55 = arith.extui %eq3A_54 : i1 to i32
    %cond3A_56 = arith.constant 0 : i32
    %cond3A_57 = arith.cmpi ne, %convert_element_type3A_55, %cond3A_56 : i32
    scf.if %cond3A_57 {
      %get3A_58 = arith.constant 0 : index
      %get3A_59 = arith.constant 0 : index
      %get3A_60 = vector.load %arg9[%get3A_58, %get3A_59] : memref<2x64xf32, #tpu.memory_space<vmem>>, vector<2x64xf32>
      %swap3A_61 = arith.constant 0 : index
      %swap3A_62 = arith.constant 0 : index
      %swap3A_63 = vector.load %arg8[%swap3A_61, %swap3A_62] : memref<2x64xf32, #tpu.memory_space<vmem>>, vector<2x64xf32>
      tpu.vector_store %arg8[%swap3A_61, %swap3A_62], %get3A_60 {strides = array<i32>} : memref<2x64xf32, #tpu.memory_space<vmem>>, vector<2x64xf32>,
    } else {
    }
    return
  }
  func.func @transform_0(%arg0: i32) -> (i32, i32) {
    %c0_i32 = arith.constant 0 : i32
    %c0_i32_0 = arith.constant 0 : i32
    return %arg0, %c0_i32 : i32, i32
  }
  func.func @transform_1(%arg0: i32) -> (i32, i32) {
    %c0_i32 = arith.constant 0 : i32
    %c0_i32_0 = arith.constant 0 : i32
    %c0_i32_1 = arith.constant 0 : i32
    return %c0_i32, %c0_i32_0 : i32, i32
  }
  func.func @transform_2(%arg0: i32) -> (i32, i32) {
    %c0_i32 = arith.constant 0 : i32
    %c0_i32_0 = arith.constant 0 : i32
    %c0_i32_1 = arith.constant 0 : i32
    return %c0_i32, %c0_i32_0 : i32, i32
  }
  func.func @transform_3(%arg0: i32) -> (i32, i32) {
    %c0_i32 = arith.constant 0 : i32
    %c0_i32_0 = arith.constant 0 : i32
    %c0_i32_1 = arith.constant 0 : i32
    return %c0_i32, %c0_i32_0 : i32, i32
  }
  func.func @transform_4(%arg0: i32) -> (i32, i32) {
    %c0_i32 = arith.constant 0 : i32
    %c0_i32_0 = arith.constant 0 : i32
    %c0_i32_1 = arith.constant 0 : i32
    return %c0_i32, %c0_i32_0 : i32, i32
  }
  func.func @transform_5(%arg0: i32) -> (i32, i32) {
    %c0_i32 = arith.constant 0 : i32
    %c0_i32_0 = arith.constant 0 : i32
    %c0_i32_1 = arith.constant 0 : i32
    return %c0_i32, %c0_i32_0 : i32, i32
  }
  func.func @transform_6(%arg0: i32) -> (i32, i32) {
    %c0_i32 = arith.constant 0 : i32
    %c0_i32_0 = arith.constant 0 : i32
    return %arg0, %c0_i32 : i32, i32
  }
  func.func @transform_7(%arg0: i32) -> (i32, i32) {
    %c0_i32 = arith.constant 0 : i32
    %c0_i32_0 = arith.constant 0 : i32
    %c0_i32_1 = arith.constant 0 : i32
    return %c0_i32, %c0_i32_0 : i32, i32
  }
}

module attributes {stable_mosaic.version = 14 : i64} {
  func.func @_normpool_body(%arg0: i32, %arg1: memref<8192x64xf32, #tpu.memory_space<vmem>>, %arg2: memref<2x64xf32, #tpu.memory_space<vmem>>, %arg3: memref<1x64xf32, #tpu.memory_space<vmem>>, %arg4: memref<1x64xf32, #tpu.memory_space<vmem>>, %arg5: memref<512x64xf32, #tpu.memory_space<vmem>>) attributes {dimension_semantics = [#tpu.dimension_semantics<arbitrary>], iteration_bounds = array<i64: 8>, scalar_prefetch = 0 : i64, scratch_operands = 0 : i64, tpu.core_type = #tpu.core_type<tc>, window_params = [{transform_indices = @transform_0, window_bounds = array<i64: 8192, 64>}, {pipeline_mode = #tpu.pipeline_mode<synchronous>, transform_indices = @transform_1, window_bounds = array<i64: 2, 64>}, {pipeline_mode = #tpu.pipeline_mode<synchronous>, transform_indices = @transform_2, window_bounds = array<i64: 1, 64>}, {pipeline_mode = #tpu.pipeline_mode<synchronous>, transform_indices = @transform_3, window_bounds = array<i64: 1, 64>}, {transform_indices = @transform_4, window_bounds = array<i64: 512, 64>}]} {
    %get3A = arith.constant 0 : index
    %get3A_0 = arith.constant 0 : index
    %get3A_1 = vector.load %arg1[%get3A, %get3A_0] : memref<8192x64xf32, #tpu.memory_space<vmem>>, vector<8192x64xf32>
    %get3A_2 = arith.constant 0 : index
    %get3A_3 = arith.constant 0 : index
    %get3A_4 = vector.load %arg2[%get3A_2, %get3A_3] : memref<2x64xf32, #tpu.memory_space<vmem>>, vector<1x64xf32>
    %mul3A = arith.constant 1.52587891E-5 : f32
    %mul3A_5 = vector.broadcast %mul3A : f32 to vector<1x64xf32>
    %mul3A_6 = arith.mulf %get3A_4, %mul3A_5 : vector<1x64xf32>
    %get3A_7 = arith.constant 1 : index
    %get3A_8 = arith.constant 0 : index
    %get3A_9 = vector.load %arg2[%get3A_7, %get3A_8] : memref<2x64xf32, #tpu.memory_space<vmem>>, vector<1x64xf32>
    %mul3A_10 = arith.constant 1.52587891E-5 : f32
    %mul3A_11 = vector.broadcast %mul3A_10 : f32 to vector<1x64xf32>
    %mul3A_12 = arith.mulf %get3A_9, %mul3A_11 : vector<1x64xf32>
    %mul3A_13 = arith.mulf %mul3A_6, %mul3A_6 : vector<1x64xf32>
    %sub3A = arith.subf %mul3A_12, %mul3A_13 : vector<1x64xf32>
    %sub3A_14 = vector.broadcast %mul3A_6 : vector<1x64xf32> to vector<8192x64xf32>
    %sub3A_15 = arith.subf %get3A_1, %sub3A_14 : vector<8192x64xf32>
    %add3A = arith.constant 1.000000e-03 : f32
    %add3A_16 = vector.broadcast %add3A : f32 to vector<1x64xf32>
    %add3A_17 = arith.addf %sub3A, %add3A_16 : vector<1x64xf32>
    %sqrt3A = math.sqrt %add3A_17 : vector<1x64xf32>
    %div3A = vector.broadcast %sqrt3A : vector<1x64xf32> to vector<8192x64xf32>
    %div3A_18 = arith.divf %sub3A_15, %div3A : vector<8192x64xf32>
    %get3A_19 = arith.constant 0 : index
    %get3A_20 = arith.constant 0 : index
    %get3A_21 = vector.load %arg3[%get3A_19, %get3A_20] : memref<1x64xf32, #tpu.memory_space<vmem>>, vector<1x64xf32>
    %mul3A_22 = vector.broadcast %get3A_21 : vector<1x64xf32> to vector<8192x64xf32>
    %mul3A_23 = arith.mulf %div3A_18, %mul3A_22 : vector<8192x64xf32>
    %get3A_24 = arith.constant 0 : index
    %get3A_25 = arith.constant 0 : index
    %get3A_26 = vector.load %arg4[%get3A_24, %get3A_25] : memref<1x64xf32, #tpu.memory_space<vmem>>, vector<1x64xf32>
    %add3A_27 = vector.broadcast %get3A_26 : vector<1x64xf32> to vector<8192x64xf32>
    %add3A_28 = arith.addf %mul3A_23, %add3A_27 : vector<8192x64xf32>
    %max3A = arith.constant 0.000000e+00 : f32
    %max3A_29 = vector.broadcast %max3A : f32 to vector<8192x64xf32>
    %max3A_30 = arith.maximumf %add3A_28, %max3A_29 : vector<8192x64xf32>
    %reshape3A = vector.shape_cast %max3A_30 : vector<8192x64xf32> to vector<512x16x64xf32>
    %reduce_max3A = arith.constant dense<0xFF800000> : vector<512x64xf32>
    %reduce_max3A_31 = vector.multi_reduction <maximumf>, %reshape3A, %reduce_max3A [1] : vector<512x16x64xf32> to vector<512x64xf32>
    %swap3A = arith.constant 0 : index
    %swap3A_32 = arith.constant 0 : index
    %swap3A_33 = vector.load %arg5[%swap3A, %swap3A_32] : memref<512x64xf32, #tpu.memory_space<vmem>>, vector<512x64xf32>
    tpu.vector_store %arg5[%swap3A, %swap3A_32], %reduce_max3A_31 {strides = array<i32>} : memref<512x64xf32, #tpu.memory_space<vmem>>, vector<512x64xf32>,
    return
  }
  func.func @transform_0(%arg0: i32) -> (i32, i32) {
    %c0_i32 = arith.constant 0 : i32
    %c0_i32_0 = arith.constant 0 : i32
    return %arg0, %c0_i32 : i32, i32
  }
  func.func @transform_1(%arg0: i32) -> (i32, i32) {
    %c0_i32 = arith.constant 0 : i32
    %c0_i32_0 = arith.constant 0 : i32
    %c0_i32_1 = arith.constant 0 : i32
    return %c0_i32, %c0_i32_0 : i32, i32
  }
  func.func @transform_2(%arg0: i32) -> (i32, i32) {
    %c0_i32 = arith.constant 0 : i32
    %c0_i32_0 = arith.constant 0 : i32
    %c0_i32_1 = arith.constant 0 : i32
    return %c0_i32, %c0_i32_0 : i32, i32
  }
  func.func @transform_3(%arg0: i32) -> (i32, i32) {
    %c0_i32 = arith.constant 0 : i32
    %c0_i32_0 = arith.constant 0 : i32
    %c0_i32_1 = arith.constant 0 : i32
    return %c0_i32, %c0_i32_0 : i32, i32
  }
  func.func @transform_4(%arg0: i32) -> (i32, i32) {
    %c0_i32 = arith.constant 0 : i32
    %c0_i32_0 = arith.constant 0 : i32
    return %arg0, %c0_i32 : i32, i32
  }
}

</mosaic_0001>

<sc_bundles>
// kernel: kernel.9.cloned.1.call-start
scs
__scs_entry_jumppad:
0x0: {  	(pc) =	sbr.rel $0x88, $3  }
0x1: {  	(tag) =	ssettag $0x0;
	lr =	simm.s32 $0x1  }
0x2: {  	[smem:$0x3F93] =	sst lr;
	_ =	strace $0xD0000000  }
0x3: {  	_ = 	snop  }
0x4: {  	_ = 	snop  }
0x5: {  	_ = 	snop  }
0x6: {  	_ = 	snop  }
0x7: {  	_ = 	snop  }
__scs_overlays_trampoline_lowered:
0x8: {  	[smem:$0x3FA2] =	sst s0  }
0x9: {  	[smem:$0x3FA3] =	sst s1  }
0xa: {  	[smem:$0x3FA4] =	sst s2  }
0xb: {  	[smem:$0x3FA5] =	sst s3  }
0xc: {  	[smem:$0x3FA6] =	sst s4  }
0xd: {  	[smem:$0x3FA7] =	sst s5  }
0xe: {  	[smem:$0x3FA8] =	sst s6  }
0xf: {  	[smem:$0x3FA9] =	sst s7  }
0x10: {  	[smem:$0x3FAA] =	sst s8  }
0x11: {  	[smem:$0x3FAB] =	sst s9;
	s0 =	simm.s32 @!p0 $0x0  }
0x12: {  	s1 =	sld [smem:$0x3F91];
	s0 =	simm.s32 @p0 $0x1  }
0x13: {  	[smem:$0x3FAC] =	sst s0;
	s0 =	simm.s32 @!p1 $0x0  }
0x14: {  	s2 =	sld [smem:$0x3F90];
	s0 =	simm.s32 @p1 $0x1  }
0x15: {  	[smem:$0x3FAD] =	sst s0;
	s0 =	simm.s32 @!p2 $0x0  }
0x16: {  	s3 =	sld [smem:$0x3FDB];
	s0 =	simm.s32 @p2 $0x1  }
0x17: {  	s4 =	simm.s32 $0x1BF5;
	[smem:$0x3FAF] =	sst s0  }
0x18: {  	s0 =	sld [smem:$0x3F92];
	_ =	swait.ge [sflag:s4], $0x0  }
0x19: {  	s7 =	sld [smem:$0x3F93]  }
0x1a: {  	s8 =	sadd.s32 $0xFFFFE003, lr  }
0x1b: {  	s9 =	sadd.s32 $0xFFFFFEF7, lr;
	s5 =	simm.s32 $0xFFFFFFFF;
	p2 =	slt.u32 s8, $0xFFFFF086  }
0x1c: {  	p1 =	slt.u32 s9, $0xF7A;
	s5 =	simm.s32 @!p2 $0x0  }
0x1d: {  	s5 =	simm.s32 @p1 $0x1;
	p0 =	seq.s32 s7, s2  }
0x1e: {  	s7 =	smul.u32 @!p0 $0xF7A, s2;
	p2 =	seq.s32 @!p0 s5, $0x0  }
0x1f: {  	s9 =	smul.u32 $0xF7A, s1;
	s8 =	simm.s32 @!p0 $0x1BF5;
	p2 =	por !p2, p0  }
0x20: {  	[sflag:s8] =	ssyncset.s32 @!p0 $0xFFFFF086;
	s6 =	sadd.s32 @!p0 s3, s7;
	s7 =	simm.s32 @!p0 $0x108  }
0x21: {  	s3 =	sadd.s32 s3, s9;
	s6 =	sadd.s32 @!p0 $0x88, s6;
	s7 =	simm.s32 @p2 $0x1082  }
0x22: {  	[simem:s7], [sflag:s8] =	dma.local @!p0 [hbm:s6], $0xF7A  }
0x23: {  	s9 =	sor.u32 $0xD0000000, s2;
	s6 =	simm.s32 $0x108;
	_ =	swait.ge @!p0 [sflag:s8], $0x0  }
0x24: {  	s3 =	sadd.s32 $0x88, s3;
	s6 =	simm.s32 @!p1 $0x1082;
	[sflag:s4] =	ssyncset.s32 $0xFFFFF086  }
0x25: {  	[simem:s6], [sflag:s4] =	dma.local [hbm:s3], $0xF7A  }
0x26: {  	[smem:$0x3F93] =	sst s1;
	(tag) =	ssettag s2;
	_ =	strace s9  }
0x27: {  	s1 =	sld [smem:$0x3FA3]  }
0x28: {  	s2 =	sld [smem:$0x3FA4]  }
0x29: {  	s4 =	sld [smem:$0x3FA6]  }
0x2a: {  	p0 =	seq.s32 s5, $0x0;
	s5 =	sld [smem:$0x3FA7]  }
0x2b: {  	s6 =	sld [smem:$0x3FA8]  }
0x2c: {  	s7 =	sld [smem:$0x3FA9]  }
0x2d: {  	s3 =	simm.s32 $0x108;
	s8 =	sld [smem:$0x3FAA]  }
0x2e: {  	s3 =	simm.s32 @!p0 $0x1082;
	s9 =	sld [smem:$0x3FAB]  }
0x2f: {  	lr =	sadd.s32 s0, s3;
	s0 =	sld [smem:$0x3FA2]  }
0x30: {  	s3 =	sld [smem:$0x3FA5]  }
0x31: {  	[smem:$0x3FAE] =	sst s10  }
0x32: {  	s10 =	sld [smem:$0x3FAC];
	_ =	sdelay $0x3  }
0x33: {  	p0 =	seq.s32 s10, $0x1;
	s10 =	sld [smem:$0x3FAE];
	_ =	sdelay $0x3  }
0x34: {  	[smem:$0x3FAE] =	sst s10  }
0x35: {  	s10 =	sld [smem:$0x3FAD];
	_ =	sdelay $0x3  }
0x36: {  	p1 =	seq.s32 s10, $0x1;
	s10 =	sld [smem:$0x3FAE];
	_ =	sdelay $0x3  }
0x37: {  	[smem:$0x3FAE] =	sst s10  }
0x38: {  	s10 =	sld [smem:$0x3FAF]  }
0x39: {  	_ = 	snop;
	(pc) =	sbr.ind lr, $3  }
0x3a: {  	_ = 	snop  }
0x3b: {  	_ = 	snop  }
0x3c: {  	p2 =	seq.s32 s10, $0x1;
	s10 =	sld [smem:$0x3FAE]  }
0x3d: {  	_ =	shalt  }
0x3e: {  	_ =	shalt  }
0x3f: {  	_ =	shalt  }
0x40: {  	_ =	shalt  }
0x41: {  	_ =	shalt  }
0x42: {  	_ =	shalt  }
0x43: {  	_ =	shalt  }
0x44: {  	_ =	shalt  }
0x45: {  	_ =	shalt  }
0x46: {  	_ =	shalt  }
0x47: {  	_ =	shalt  }
0x48: {  	_ =	shalt  }
0x49: {  	_ =	shalt  }
0x4a: {  	_ =	shalt  }
0x4b: {  	_ =	shalt  }
0x4c: {  	_ =	shalt  }
0x4d: {  	_ =	shalt  }
0x4e: {  	_ =	shalt  }
0x4f: {  	_ =	shalt  }
0x50: {  	_ =	shalt  }
0x51: {  	_ =	shalt  }
0x52: {  	_ =	shalt  }
0x53: {  	_ =	shalt  }
0x54: {  	_ =	shalt  }
0x55: {  	_ =	shalt  }
0x56: {  	_ =	shalt  }
0x57: {  	_ =	shalt  }
0x58: {  	_ =	shalt  }
0x59: {  	_ =	shalt  }
0x5a: {  	_ =	shalt  }
0x5b: {  	_ =	shalt  }
0x5c: {  	_ =	shalt  }
0x5d: {  	_ =	shalt  }
0x5e: {  	_ =	shalt  }
0x5f: {  	_ =	shalt  }
0x60: {  	_ =	shalt  }
0x61: {  	_ =	shalt  }
0x62: {  	_ =	shalt  }
0x63: {  	_ =	shalt  }
0x64: {  	_ =	shalt  }
0x65: {  	_ =	shalt  }
0x66: {  	_ =	shalt  }
0x67: {  	_ =	shalt  }
0x68: {  	_ =	shalt  }
0x69: {  	_ =	shalt  }
0x6a: {  	_ =	shalt  }
0x6b: {  	_ =	shalt  }
0x6c: {  	_ =	shalt  }
0x6d: {  	_ =	shalt  }
0x6e: {  	_ =	shalt  }
0x6f: {  	_ =	shalt  }
0x70: {  	_ =	shalt  }
0x71: {  	_ =	shalt  }
0x72: {  	_ =	shalt  }
0x73: {  	_ =	shalt  }
0x74: {  	_ =	shalt  }
0x75: {  	_ =	shalt  }
0x76: {  	_ =	shalt  }
0x77: {  	_ =	shalt  }
0x78: {  	_ =	shalt  }
0x79: {  	_ =	shalt  }
0x7a: {  	_ =	shalt  }
0x7b: {  	_ =	shalt  }
0x7c: {  	_ =	shalt  }
0x7d: {  	_ =	shalt  }
0x7e: {  	_ =	shalt  }
0x7f: {  	_ =	shalt  }
0x80: {  	_ =	shalt  }
0x81: {  	_ =	shalt  }
0x82: {  	_ =	shalt  }
0x83: {  	_ =	shalt  }
0x84: {  	_ =	shalt  }
0x85: {  	_ =	shalt  }
0x86: {  	_ =	shalt  }
0x87: {  	_ =	shalt  }
.Lfunc_end0:
.L_simem_size_0:
called_computation_lowered:
.L_overlay_start_0:
0x88: {  	s2 =	sld [smem:$0x3FD9]  }
0x89: {  	s3 =	sld [smem:$0x3FFE];
	_ =	sdelay $0x1  }
0x8a: {  	s1 =	srdreg.scid  }
0x8b: {  	s0 =	sand.u32 $0x1, s1  }
0x8c: {  	s14 =	sshll.u32 s0, $0xA;
	s2 =	sadd.s32 s3, s2  }
0x8d: {  	s2 =	sadd.s32 s2, s14  }
0x8e: {  	[smem:$0x3FBA] =	sst s2  }
0x8f: {  	_ = 	snop  }
0x90: {  	s2 =	sld [smem:$0x3FD0];
	_ =	sdelay $0x2  }
0x91: {  	s15 =	simm.s32 $0xA;
	s4 =	simm.s32 $0x10  }
0x92: {  	[smem:s4], [sflag:s15] =	dma.local [hbm:s2], $0x1  }
0x93: {  	_ =	swait.eq [sflag:s15], $0x1  }
0x94: {  	[sflag:s15] =	ssyncset.done $0x0  }
0x95: {  	[sflag:s15] =	ssyncadd.s32 $0xFFFFFFFF  }
0x96: {  	s16 =	sld [smem:$0x11];
	(tm) =	ssettm $0x1  }
0x97: {  	s17 =	sld [smem:$0x3FFB];
	_ =	sdelay $0x3  }
0x98: {  	_ =	strace s17  }
0x99: {  	s3 =	sld [smem:$0x3FFC];
	_ =	sdelay $0x3  }
0x9a: {  	_ =	strace s3  }
0x9b: {  	s3 =	sld [smem:$0x3FFD];
	_ =	sdelay $0x3  }
0x9c: {  	_ =	strace s3  }
0x9d: {  	_ =	strace $0x8FFFFFFF  }
0x9e: {  	s18 =	sld [smem:$0x3FDB];
	_ =	sdelay $0x1  }
0x9f: {  	s19 =	simm.s32 $_scs_section_size  }
0xa0: {  	s5 =	simm.s32 $_size__tile_overlayer_lowered;
	s6 =	simm.s32 $_tile_overlayer_lowered  }
0xa1: {  	s22 =	simm.s32 $0x1BFF;
	s21 =	sshll.u32 s6, $0x1;
	s3 =	sadd.s32 s19, s18  }
0xa2: {  	s7 =	simm.s32 $0x0;
	s20 =	sshll.u32 s5, $0x1;
	s5 =	sadd.s32 s21, s3  }
0xa3: {  	[timem:s7], [sflag:s22] =	dma.local [hbm:s5], s20  }
0xa4: {  	_ =	swait.ge [sflag:s22], s20  }
0xa5: {  	s4 =	ssub.s32 $0x0, s20;
	[sflag:s22] =	ssyncset.done $0x0  }
0xa6: {  	[sflag:s22] =	ssyncadd.s32 s4;
	_ =	sdelay $0x1  }
0xa7: {  	s23 =	simm.s32 $0x1B8B  }
0xa8: {  	_ =	swait.ge [sflag:s23], $0x1  }
0xa9: {  	[sflag:s23] =	ssyncset.done $0x0  }
0xaa: {  	s25 =	simm.s32 $0x1B8E;
	s24 =	sld [smem:$0x3FFE];
	[sflag:s23] =	ssyncadd.s32 $0xFFFFFFFF  }
0xab: {  	s26 =	simm.s32 $execute0_lowered;
	[smem:$0x3FD2] =	sst s25  }
0xac: {  	s5 =	sshll.u32 s26, $0x1;
	_ =	strace $0x80000046;
	[dreg:$0x1] =	wrdreg $0xFFFFFFFF  }
0xad: {  	s28 =	simm.s32 $_size_execute0_lowered;
	s3 =	sadd.s32 s3, s5;
	[dreg:$0x0] =	wrdreg $0x0  }
0xae: {  	s5 =	sshll.u32 s28, $0x1;
	[dreg:$0x2] =	wrdreg s3  }
0xaf: {  	[dreg:$0x3] =	wrdreg s5  }
0xb0: {  	[dreg:$0x4] =	wrdreg $0xC0  }
0xb1: {  	_ =	task [dreg:s7], $0x5FFFF  }
0xb2: {  	[dreg:$0x1] =	wrdreg $0xFFFFFFFF  }
0xb3: {  	[dreg:$0x0] =	wrdreg $0x60  }
0xb4: {  	[dreg:$0x2] =	wrdreg s24  }
0xb5: {  	[dreg:$0x3] =	wrdreg s16  }
0xb6: {  	[dreg:$0x4] =	wrdreg $0x9  }
0xb7: {  	_ =	task.clear_ibuf [dreg:s7], $0x5FFFF;
	_ =	strace $0x90000046  }
0xb8: {  	s29 =	simm.s32 $0x9;
	_ =	strace $0x80000048  }
0xb9: {  	_ =	swait.ge [sflag:s29], $0x1  }
0xba: {  	[sflag:s29] =	ssyncadd.s32 $0xFFFFFFFF  }
0xbb: {  	_ =	strace $0x90000048  }
0xbc: {  	_ =	sfence  }
0xbd: {  	s30 =	sld [smem:$0x0];
	_ =	sdelay $0x2  }
0xbe: {  	s31 =	sshll.u32 s1, $0xD;
	s1 =	sshrl.u32 s1, $0x2  }
0xbf: {  	s3 =	sand.u32 $0x4000, s31;
	s1 =	sadd.s32 s1, s30  }
0xc0: {  	s0 =	sor.u32 s3, s0;
	s1 =	sshll.u32 s1, $0x11  }
0xc1: {  	s0 =	sor.u32 s1, s0  }
0xc2: {  	s0 =	sadd.s32 $0x8F2B, s0  }
0xc3: {  	[sflag:s0] =	ssyncadd.remote.s32 $0x1  }
0xc4: {  	_ =	sfence.sel $0xFFFF  }
0xc5: {  	[dreg:$0x0] =	wrdreg $0xFFFFFFFF;
	(pc) =	sbr.abs _section_cstart, $3  }
0xc6: {  	[dreg:$0x1] =	wrdreg $0xFFFFFFFF  }
0xc7: {  	_ =	task.clear_ibuf [dreg:s7], $0x2FFFF;
	_ =	strace $0x9FFFFFFF  }
0xc8: {  	(tm) =	ssettm $0x7FFFFFFF  }
0xc9: {  	_ =	shalt  }
tec
execute0_lowered:
.L_overlay_start_1:
0x0: {  	(tag) =	ssettag $0x1  }
0x1: {  	s1 =	srdreg.scid  }
0x2: {  	s8 =	rddreg [dreg:$0x0];
	s0 =	stileid.u32  }
0x3: {  	s3 =	rddreg [dreg:$0x1];
	s2 =	simm.s32 $0x0;
	s6 =	sand.u32 $0x1, s1  }
0x4: {  	s4 =	sshll.u32 s0, $0xC;
	s1 =	rddreg [dreg:$0x2];
	s5 =	sshll.u32 s6, $0xB  }
0x5: {  	s7 =	simm.s32 $0x1;
	[smem:$0x7FF] =	sst s2;
	s9 =	sor.u32 s5, s4  }
0x6: {  	_ =	strace $0x80000047;
	s10 =	ssub.s32 $0x2, s6;
	s4 =	sshrl.u32 s9, $0x3  }
0x7: {  	s6 =	simm.s32 $0x800;
	s4 =	sadd.s32 s3, s4;
	s3 =	simm.s32 $0x2  }
0x8: {  	[tilespmem:s2], [sflag:$0x2] =	stream.linear.gather [hbm4b:s4+s2], $0x800, $0x38;
	[tilespmem:$0x8800] =	vst v63  }
0x9: {  	s5 =	sadd.s32 $0x2800, s8;
	s11 =	sshrl.u32 s10, $0x1;
	_ =	swait.ge [sflag:s3], $0x800  }
0xa: {  	s9 =	sshll.u32 s9, $0x1;
	s31 =	ssub.s32 s10, s11;
	[sflag:s3] =	ssyncset.done $0x0  }
0xb: {  	s8 =	sadd.s32 s9, s8;
	s9 =	smax.u32 s31, $0x1;
	[sflag:s3] =	ssyncadd.s32 $0xFFFFF800  }
0xc: {  	[tilespmem:s6], [sflag:$0x1] =	stream.indirect.gather [hbm4b:s5+s6], $0x10, s2, s6, $0xb8;
	[tilespmem:$0x8800] =	vst v63  }
0xd: {  	p0 =	sne.s32 s9, $0x1;
	_ =	swait.ge [sflag:s7], $0x8000  }
.Ltmp0:
0xe: {  	[sflag:s7] =	ssyncset.done $0x0;
	(pc) =	sbr.rel @!p0 .LBB2_2-.Ltmp0, $4  }
0xf: {  	s8 =	sadd.s32 $0x12800, s8;
	[sflag:s7] =	ssyncadd.s32 $0xFFFF8000  }
0x10: {  	[hbm4b:s8+s2] =	stream.linear.scatter [tilespmem:s6], [sflag:$0x2], $0x8000, $0x38;
	[tilespmem:$0x8800] =	vst v63  }
0x11: {  	_ =	swait.ge [sflag:s3], $0x8000  }
0x12: {  	s9 =	sadd.s32 $0xFFFFFFFF, s9;
	[sflag:s3] =	ssyncset.done $0x0  }
.LBB2_1:
0x13: {  	p0 =	sne.s32 s9, $0x1;
	s9 =	sadd.s32 $0xFFFFFFFF, s9;
	[sflag:s3] =	ssyncadd.s32 $0xFFFF8000  }
0x14: {  	[tilespmem:s2], [sflag:$0x2] =	stream.linear.gather [hbm4b:s4+s2], $0x800, $0x38;
	[tilespmem:$0x8800] =	vst v63  }
0x15: {  	_ =	swait.ge [sflag:s3], $0x800  }
0x16: {  	[sflag:s3] =	ssyncset.done $0x0  }
0x17: {  	[sflag:s3] =	ssyncadd.s32 $0xFFFFF800  }
0x18: {  	[tilespmem:s6], [sflag:$0x1] =	stream.indirect.gather [hbm4b:s5+s6], $0x10, s2, s6, $0xb8;
	[tilespmem:$0x8800] =	vst v63  }
0x19: {  	_ =	swait.ge [sflag:s7], $0x8000  }
.Ltmp1:
0x1a: {  	[sflag:s7] =	ssyncset.done $0x0;
	(pc) =	sbr.rel @p0 .LBB2_1-.Ltmp1, $4  }
0x1b: {  	[sflag:s7] =	ssyncadd.s32 $0xFFFF8000  }
0x1c: {  	[hbm4b:s8+s2] =	stream.linear.scatter [tilespmem:s6], [sflag:$0x2], $0x8000, $0x38;
	[tilespmem:$0x8800] =	vst v63  }
0x1d: {  	_ =	swait.ge [sflag:s3], $0x8000  }
0x1e: {  	[sflag:s3] =	ssyncset.done $0x0  }
.LBB2_2:
0x1f: {  	[sflag:s3] =	ssyncadd.s32 $0xFFFF8000  }
0x20: {  	_ =	sfence.sel $0x180000  }
0x21: {  	[bflag:$0x0] =	sbarrier.arrive $0xFFFF  }
0x22: {  	p0 =	sne.s32 s0, $0x0;
	_ =	strace $0x90000047  }
0x23: {  	s0 =	sadd.s32 @!p0 $0x100000, s1;
	[bflag:$0x2] =	sbarrier.arrive $0xFFFF  }
0x24: {  	[sflag:s0] =	ssyncadd.tile.s32 @!p0 $0x1;
	_ =	shalt  }
.Lfunc_end2:
_tile_overlayer_lowered:
.L_overlay_start_2:
0x25: {  	(tag) =	ssettag $0x2  }
0x26: {  	s0 =	rddreg [dreg:$0x0];
	s2 =	stileid.u32  }
0x27: {  	s1 =	rddreg [dreg:$0x1];
	p0 =	sne.s32 s2, $0x0  }
0x28: {  	s3 =	rddreg [dreg:$0x2];
	[bflag:$0x3] =	sbarrier.arrive $0xFFFF;
	s2 =	simm.s32 @!p0 $0x1C02  }
0x29: {  	[timem:s3], [sflag:s2] =	dma.local @!p0 [hbm:s0], s1  }
0x2a: {  	s0 =	simm.s32 @!p0 $0x2  }
0x2b: {  	_ =	swait.ge @!p0 [sflag:s0], s1  }
0x2c: {  	s1 =	ssub.s32 @!p0 $0x0, s1;
	[sflag:s0] =	ssyncset.done @!p0 $0x0  }
0x2d: {  	[sflag:s0] =	ssyncadd.s32 @!p0 s1  }
0x2e: {  	[bflag:$0x3] =	sbarrier.arrive $0xFFFF  }
0x2f: {  	_ =	shalt  }

</sc_bundles>
